<compile_context>
chip_gen: v7x
topology: tpu7x:2x2x1
jax: 0.10.2.dev20260603
libtpu: 0.0.44.dev20260713+nightly
codegen_flags: <defaults>
</compile_context>

<pallas_src>
import jax
import jax.numpy as jnp
from jax import lax
from jax.experimental import pallas as pl
from jax.experimental.pallas import tpu as pltpu

PRE_NMS_TOP_N = 5000
POST_NMS_TOP_N = 2000
NMS_THRESH = 0.7
NMS_AUG_THICKNESS = 0.2
MIN_SIZE = 0.01

_B = 256
_NP = 5120
_NB = _NP // _B


def _nms_block_kernel(a_ref, r_ref, s_ref, prop_ref, masked_ref,
                      der_ref, supp_ref, cmp_ref):
    b = pl.program_id(0)
    boff = b * _B

    @pl.when(b == 0)
    def _init():
        xa = a_ref[0:1, :]
        ya = a_ref[1:2, :]
        za = a_ref[2:3, :]
        wa = a_ref[3:4, :]
        la = a_ref[4:5, :]
        ha = a_ref[5:6, :]
        ra = a_ref[6:7, :]
        tx = r_ref[0:1, :]
        ty = r_ref[1:2, :]
        tz = r_ref[2:3, :]
        tw = r_ref[3:4, :]
        tl = r_ref[4:5, :]
        th = r_ref[5:6, :]
        tr = r_ref[6:7, :]
        diag = jnp.sqrt(wa * wa + la * la)
        x = tx * diag + xa
        y = ty * diag + ya
        z = tz * ha + za
        w = jnp.exp(tw) * wa
        l = jnp.exp(tl) * la
        h = jnp.exp(th) * ha
        r = tr + ra
        prop_ref[0:1, :] = x
        prop_ref[1:2, :] = y
        prop_ref[2:3, :] = z
        prop_ref[3:4, :] = w
        prop_ref[4:5, :] = l
        prop_ref[5:6, :] = h
        prop_ref[6:7, :] = r
        prop_ref[7:8, :] = jnp.zeros_like(x)
        h_eff = jnp.maximum(h, NMS_AUG_THICKNESS)
        der_ref[0:1, :] = x - w * 0.5
        der_ref[1:2, :] = x + w * 0.5
        der_ref[2:3, :] = y - l * 0.5
        der_ref[3:4, :] = y + l * 0.5
        der_ref[4:5, :] = z
        der_ref[5:6, :] = z + h_eff
        der_ref[6:7, :] = w * l * h_eff
        der_ref[7:8, :] = jnp.zeros_like(x)
        valid = ((w >= MIN_SIZE) & (l >= MIN_SIZE) & (h >= MIN_SIZE))
        supp_ref[...] = jnp.where(valid, 0.0, 1.0)

    rows_blk = der_ref[:, pl.ds(boff, _B)]
    ri = lax.broadcasted_iota(jnp.int32, (_B, _B), 0)
    ci = lax.broadcasted_iota(jnp.int32, (_B, _B), 1)
    ident = (ri == ci).astype(jnp.float32)
    cols_blk = lax.dot_general(ident, rows_blk,
                               (((1,), (1,)), ((), ())),
                               preferred_element_type=jnp.float32)

    xlo_c = cols_blk[:, 0:1]
    xhi_c = cols_blk[:, 1:2]
    ylo_c = cols_blk[:, 2:3]
    yhi_c = cols_blk[:, 3:4]
    zlo_c = cols_blk[:, 4:5]
    zhi_c = cols_blk[:, 5:6]
    vol_c = cols_blk[:, 6:7]

    xlo_r = der_ref[0:1, :]
    xhi_r = der_ref[1:2, :]
    ylo_r = der_ref[2:3, :]
    yhi_r = der_ref[3:4, :]
    zlo_r = der_ref[4:5, :]
    zhi_r = der_ref[5:6, :]
    vol_r = der_ref[6:7, :]

    ox = jnp.maximum(0.0, jnp.minimum(xhi_c, xhi_r) - jnp.maximum(xlo_c, xlo_r))
    oy = jnp.maximum(0.0, jnp.minimum(yhi_c, yhi_r) - jnp.maximum(ylo_c, ylo_r))
    oz = jnp.maximum(0.0, jnp.minimum(zhi_c, zhi_r) - jnp.maximum(zlo_c, zlo_r))
    inter = ox * oy * oz
    union = vol_c + vol_r - inter
    cmp = (inter > NMS_THRESH * (union + 1e-6)).astype(jnp.float32)
    cmp_ref[...] = cmp

    suppb0 = supp_ref[0:1, pl.ds(boff, _B)]
    keepb0 = jnp.zeros_like(suppb0)
    iota_l = lax.broadcasted_iota(jnp.int32, (1, _B), 1)

    def chunk_body(k, carry):
        suppb, keepb = carry
        chunk = cmp_ref[pl.ds(8 * k, 8), pl.ds(boff, _B)]
        for j in range(8):
            i = 8 * k + j
            sel = (iota_l == i).astype(jnp.float32)
            ok = 1.0 - jnp.max(sel * suppb, axis=1, keepdims=True)
            keepb = keepb + sel * ok
            suppb = jnp.maximum(suppb, ok * chunk[j:j + 1, :])
        return suppb, keepb

    _, keep_f = lax.fori_loop(0, _B // 8, chunk_body, (suppb0, keepb0))

    contrib = jnp.dot(keep_f, cmp, preferred_element_type=jnp.float32)
    supp_ref[...] = jnp.maximum(supp_ref[...],
                                jnp.where(contrib > 0.5, 1.0, 0.0))

    masked_ref[0:1, pl.ds(boff, _B)] = jnp.where(
        keep_f > 0.5, s_ref[0:1, pl.ds(boff, _B)], -1.0)


def _run_nms(a_t, r_t, s_p):
    return pl.pallas_call(
        _nms_block_kernel,
        grid=(_NB,),
        in_specs=[
            pl.BlockSpec((8, _NP), lambda b: (0, 0)),
            pl.BlockSpec((8, _NP), lambda b: (0, 0)),
            pl.BlockSpec((1, _NP), lambda b: (0, 0)),
        ],
        out_specs=[
            pl.BlockSpec((8, _NP), lambda b: (0, 0)),
            pl.BlockSpec((1, _NP), lambda b: (0, 0)),
        ],
        out_shape=[
            jax.ShapeDtypeStruct((8, _NP), jnp.float32),
            jax.ShapeDtypeStruct((1, _NP), jnp.float32),
        ],
        scratch_shapes=[
            pltpu.VMEM((8, _NP), jnp.float32),
            pltpu.VMEM((1, _NP), jnp.float32),
            pltpu.VMEM((_B, _NP), jnp.float32),
        ],
    )(a_t, r_t, s_p)


def kernel(anchors, objectness, box_regression):
    scores = jax.nn.sigmoid(objectness)
    top_scores, top_idx = lax.top_k(scores, PRE_NMS_TOP_N)
    a = anchors[top_idx]
    r = box_regression[top_idx]

    a_t = jnp.zeros((8, _NP), jnp.float32).at[:7, :PRE_NMS_TOP_N].set(a.T)
    r_t = jnp.zeros((8, _NP), jnp.float32).at[:7, :PRE_NMS_TOP_N].set(r.T)
    s_p = jnp.full((1, _NP), -1.0, jnp.float32).at[0, :PRE_NMS_TOP_N].set(top_scores)

    prop_t, masked = _run_nms(a_t, r_t, s_p)

    masked_scores = masked[0, :PRE_NMS_TOP_N]
    post_scores, post_idx = lax.top_k(masked_scores, POST_NMS_TOP_N)
    proposals = prop_t[:7, :PRE_NMS_TOP_N].T
    post_boxes = proposals[post_idx]
    return jnp.concatenate([post_boxes, post_scores[:, None]], axis=1)

# --- scband reference (transcript-rebuilt; emitter-appended) ---
"""Pipeline reference for scband-rpnpost-processor-74543452389407 (READ-ONLY COPY).

The authoritative reference and input builder live on the scoring server;
editing this copy changes nothing except your own understanding.
"""

import jax
import jax.numpy as jnp
import numpy as np
from jax import lax

N = 20000
PRE_NMS_TOP_N = 5000
POST_NMS_TOP_N = 2000
NMS_THRESH = 0.7
NMS_AUG_THICKNESS = 0.2
MIN_SIZE = 0.01


def setup_inputs(seed: int = 0):
    key = jax.random.key(seed)
    k1, k2, k3, k4, k5 = jax.random.split(key, 5)
    centers = jax.random.uniform(k1, (N, 3), minval=-40.0, maxval=40.0)
    sizes = jax.random.uniform(k2, (N, 3), minval=0.5, maxval=4.0)
    ry = jax.random.uniform(k3, (N, 1), minval=-np.pi, maxval=np.pi)
    anchors = jnp.concatenate([centers, sizes, ry], axis=1).astype(jnp.float32)
    objectness = jax.random.normal(k4, (N,), dtype=jnp.float32)
    box_regression = jax.random.normal(k5, (N, 7), dtype=jnp.float32) * 0.1
    return {"anchors": anchors, "objectness": objectness, "box_regression": box_regression}


def _box_decode(reg, anchors):
    # SECOND-style 3D box coder: [x, y, z, w, l, h, ry], yx_zb mode (z = bottom)
    xa, ya, za, wa, la, ha, ra = [anchors[:, i] for i in range(7)]
    tx, ty, tz, tw, tl, th, tr = [reg[:, i] for i in range(7)]
    diag = jnp.sqrt(wa * wa + la * la)
    x = tx * diag + xa
    y = ty * diag + ya
    z = tz * ha + za
    w = jnp.exp(tw) * wa
    l = jnp.exp(tl) * la
    h = jnp.exp(th) * ha
    r = tr + ra
    return jnp.stack([x, y, z, w, l, h, r], axis=1)


def _axis_overlap(lo, hi):
    return jnp.maximum(0.0, jnp.minimum(hi[:, None], hi[None, :]) - jnp.maximum(lo[:, None], lo[None, :]))


def _pairwise_iou3d(boxes, aug_thickness):
    x, y, z, w, l, h = [boxes[:, i] for i in range(6)]
    h_eff = jnp.maximum(h, aug_thickness)
    ox = _axis_overlap(x - w / 2.0, x + w / 2.0)
    oy = _axis_overlap(y - l / 2.0, y + l / 2.0)
    oz = _axis_overlap(z, z + h_eff)
    inter = ox * oy * oz
    vol = w * l * h_eff
    union = vol[:, None] + vol[None, :] - inter
    return inter / (union + 1e-6)


def _greedy_nms(iou, invalid):
    k = iou.shape[0]
    keep0 = jnp.zeros((k,), dtype=bool)

    def body(i, state):
        keep, supp = state
        ok = jnp.logical_not(supp[i])
        keep = keep.at[i].set(ok)
        supp = jnp.where(ok, jnp.logical_or(supp, iou[i] > NMS_THRESH), supp)
        return keep, supp

    keep, _ = lax.fori_loop(0, k, body, (keep0, invalid))
    return keep


def reference(anchors, objectness, box_regression):
    # batch_size = 1: single example scope covers all anchors
    scores = jax.nn.sigmoid(objectness)
    pre_n = min(PRE_NMS_TOP_N, scores.shape[0])
    top_scores, top_idx = lax.top_k(scores, pre_n)
    reg_i = box_regression[top_idx]
    anchors_i = anchors[top_idx]
    proposals = _box_decode(reg_i, anchors_i)
    valid = jnp.all(proposals[:, 3:6] >= MIN_SIZE, axis=1)
    iou = _pairwise_iou3d(proposals, NMS_AUG_THICKNESS)
    keep = _greedy_nms(iou, jnp.logical_not(valid))
    masked_scores = jnp.where(keep, top_scores, -1.0)
    post_scores, post_idx = lax.top_k(masked_scores, POST_NMS_TOP_N)
    post_boxes = proposals[post_idx]
    return jnp.concatenate([post_boxes, post_scores[:, None]], axis=1)

if __name__ == "__main__":
    import jax
    _d = setup_inputs()
    print(jax.jit(kernel)(*tuple(_d.values())))

</pallas_src>

<mosaic_0001>
module attributes {stable_mosaic.version = 14 : i64} {
  func.func @_nms_block_kernel(%arg0: i32, %arg1: memref<8x5120xf32, #tpu.memory_space<vmem>>, %arg2: memref<8x5120xf32, #tpu.memory_space<vmem>>, %arg3: memref<1x5120xf32, #tpu.memory_space<vmem>>, %arg4: memref<8x5120xf32, #tpu.memory_space<vmem>>, %arg5: memref<1x5120xf32, #tpu.memory_space<vmem>>, %arg6: memref<8x5120xf32, #tpu.memory_space<vmem>>, %arg7: memref<1x5120xf32, #tpu.memory_space<vmem>>, %arg8: memref<256x5120xf32, #tpu.memory_space<vmem>>) attributes {dimension_semantics = [#tpu.dimension_semantics<arbitrary>], iteration_bounds = array<i64: 20>, scalar_prefetch = 0 : i64, scratch_operands = 3 : i64, tpu.core_type = #tpu.core_type<tc>, window_params = [{pipeline_mode = #tpu.pipeline_mode<synchronous>, transform_indices = @transform_0, window_bounds = array<i64: 8, 5120>}, {pipeline_mode = #tpu.pipeline_mode<synchronous>, transform_indices = @transform_1, window_bounds = array<i64: 8, 5120>}, {pipeline_mode = #tpu.pipeline_mode<synchronous>, transform_indices = @transform_2, window_bounds = array<i64: 1, 5120>}, {pipeline_mode = #tpu.pipeline_mode<synchronous>, transform_indices = @transform_3, window_bounds = array<i64: 8, 5120>}, {pipeline_mode = #tpu.pipeline_mode<synchronous>, transform_indices = @transform_4, window_bounds = array<i64: 1, 5120>}]} {
    %mul3A = arith.constant 256 : i32
    %mul3A_0 = arith.muli %arg0, %mul3A : i32
    %eq3A = arith.constant 0 : i32
    %eq3A_1 = arith.cmpi eq, %arg0, %eq3A : i32
    %convert_element_type3A = arith.extui %eq3A_1 : i1 to i32
    %cond3A = arith.constant 0 : i32
    %cond3A_2 = arith.cmpi ne, %convert_element_type3A, %cond3A : i32
    scf.if %cond3A_2 {
      %get3A_116 = arith.constant 0 : index
      %get3A_117 = arith.constant 0 : index
      %get3A_118 = vector.load %arg1[%get3A_116, %get3A_117] : memref<8x5120xf32, #tpu.memory_space<vmem>>, vector<1x5120xf32>
      %get3A_119 = arith.constant 1 : index
      %get3A_120 = arith.constant 0 : index
      %get3A_121 = vector.load %arg1[%get3A_119, %get3A_120] : memref<8x5120xf32, #tpu.memory_space<vmem>>, vector<1x5120xf32>
      %get3A_122 = arith.constant 2 : index
      %get3A_123 = arith.constant 0 : index
      %get3A_124 = vector.load %arg1[%get3A_122, %get3A_123] : memref<8x5120xf32, #tpu.memory_space<vmem>>, vector<1x5120xf32>
      %get3A_125 = arith.constant 3 : index
      %get3A_126 = arith.constant 0 : index
      %get3A_127 = vector.load %arg1[%get3A_125, %get3A_126] : memref<8x5120xf32, #tpu.memory_space<vmem>>, vector<1x5120xf32>
      %get3A_128 = arith.constant 4 : index
      %get3A_129 = arith.constant 0 : index
      %get3A_130 = vector.load %arg1[%get3A_128, %get3A_129] : memref<8x5120xf32, #tpu.memory_space<vmem>>, vector<1x5120xf32>
      %get3A_131 = arith.constant 5 : index
      %get3A_132 = arith.constant 0 : index
      %get3A_133 = vector.load %arg1[%get3A_131, %get3A_132] : memref<8x5120xf32, #tpu.memory_space<vmem>>, vector<1x5120xf32>
      %get3A_134 = arith.constant 6 : index
      %get3A_135 = arith.constant 0 : index
      %get3A_136 = vector.load %arg1[%get3A_134, %get3A_135] : memref<8x5120xf32, #tpu.memory_space<vmem>>, vector<1x5120xf32>
      %get3A_137 = arith.constant 0 : index
      %get3A_138 = arith.constant 0 : index
      %get3A_139 = vector.load %arg2[%get3A_137, %get3A_138] : memref<8x5120xf32, #tpu.memory_space<vmem>>, vector<1x5120xf32>
      %get3A_140 = arith.constant 1 : index
      %get3A_141 = arith.constant 0 : index
      %get3A_142 = vector.load %arg2[%get3A_140, %get3A_141] : memref<8x5120xf32, #tpu.memory_space<vmem>>, vector<1x5120xf32>
      %get3A_143 = arith.constant 2 : index
      %get3A_144 = arith.constant 0 : index
      %get3A_145 = vector.load %arg2[%get3A_143, %get3A_144] : memref<8x5120xf32, #tpu.memory_space<vmem>>, vector<1x5120xf32>
      %get3A_146 = arith.constant 3 : index
      %get3A_147 = arith.constant 0 : index
      %get3A_148 = vector.load %arg2[%get3A_146, %get3A_147] : memref<8x5120xf32, #tpu.memory_space<vmem>>, vector<1x5120xf32>
      %get3A_149 = arith.constant 4 : index
      %get3A_150 = arith.constant 0 : index
      %get3A_151 = vector.load %arg2[%get3A_149, %get3A_150] : memref<8x5120xf32, #tpu.memory_space<vmem>>, vector<1x5120xf32>
      %get3A_152 = arith.constant 5 : index
      %get3A_153 = arith.constant 0 : index
      %get3A_154 = vector.load %arg2[%get3A_152, %get3A_153] : memref<8x5120xf32, #tpu.memory_space<vmem>>, vector<1x5120xf32>
      %get3A_155 = arith.constant 6 : index
      %get3A_156 = arith.constant 0 : index
      %get3A_157 = vector.load %arg2[%get3A_155, %get3A_156] : memref<8x5120xf32, #tpu.memory_space<vmem>>, vector<1x5120xf32>
      %mul3A_158 = arith.mulf %get3A_127, %get3A_127 : vector<1x5120xf32>
      %mul3A_159 = arith.mulf %get3A_130, %get3A_130 : vector<1x5120xf32>
      %add3A_160 = arith.addf %mul3A_158, %mul3A_159 : vector<1x5120xf32>
      %sqrt3A = math.sqrt %add3A_160 : vector<1x5120xf32>
      %mul3A_161 = arith.mulf %get3A_139, %sqrt3A : vector<1x5120xf32>
      %add3A_162 = arith.addf %mul3A_161, %get3A_118 : vector<1x5120xf32>
      %mul3A_163 = arith.mulf %get3A_142, %sqrt3A : vector<1x5120xf32>
      %add3A_164 = arith.addf %mul3A_163, %get3A_121 : vector<1x5120xf32>
      %mul3A_165 = arith.mulf %get3A_145, %get3A_133 : vector<1x5120xf32>
      %add3A_166 = arith.addf %mul3A_165, %get3A_124 : vector<1x5120xf32>
      %exp3A = math.exp %get3A_148 : vector<1x5120xf32>
      %mul3A_167 = arith.mulf %exp3A, %get3A_127 : vector<1x5120xf32>
      %exp3A_168 = math.exp %get3A_151 : vector<1x5120xf32>
      %mul3A_169 = arith.mulf %exp3A_168, %get3A_130 : vector<1x5120xf32>
      %exp3A_170 = math.exp %get3A_154 : vector<1x5120xf32>
      %mul3A_171 = arith.mulf %exp3A_170, %get3A_133 : vector<1x5120xf32>
      %add3A_172 = arith.addf %get3A_157, %get3A_136 : vector<1x5120xf32>
      %swap3A_173 = arith.constant 0 : index
      %swap3A_174 = arith.constant 0 : index
      %swap3A_175 = vector.load %arg4[%swap3A_173, %swap3A_174] : memref<8x5120xf32, #tpu.memory_space<vmem>>, vector<1x5120xf32>
      tpu.vector_store %arg4[%swap3A_173, %swap3A_174], %add3A_162 {strides = array<i32>} : memref<8x5120xf32, #tpu.memory_space<vmem>>, vector<1x5120xf32>,
      %swap3A_176 = arith.constant 1 : index
      %swap3A_177 = arith.constant 0 : index
      %swap3A_178 = vector.load %arg4[%swap3A_176, %swap3A_177] : memref<8x5120xf32, #tpu.memory_space<vmem>>, vector<1x5120xf32>
      tpu.vector_store %arg4[%swap3A_176, %swap3A_177], %add3A_164 {strides = array<i32>} : memref<8x5120xf32, #tpu.memory_space<vmem>>, vector<1x5120xf32>,
      %swap3A_179 = arith.constant 2 : index
      %swap3A_180 = arith.constant 0 : index
      %swap3A_181 = vector.load %arg4[%swap3A_179, %swap3A_180] : memref<8x5120xf32, #tpu.memory_space<vmem>>, vector<1x5120xf32>
      tpu.vector_store %arg4[%swap3A_179, %swap3A_180], %add3A_166 {strides = array<i32>} : memref<8x5120xf32, #tpu.memory_space<vmem>>, vector<1x5120xf32>,
      %swap3A_182 = arith.constant 3 : index
      %swap3A_183 = arith.constant 0 : index
      %swap3A_184 = vector.load %arg4[%swap3A_182, %swap3A_183] : memref<8x5120xf32, #tpu.memory_space<vmem>>, vector<1x5120xf32>
      tpu.vector_store %arg4[%swap3A_182, %swap3A_183], %mul3A_167 {strides = array<i32>} : memref<8x5120xf32, #tpu.memory_space<vmem>>, vector<1x5120xf32>,
      %swap3A_185 = arith.constant 4 : index
      %swap3A_186 = arith.constant 0 : index
      %swap3A_187 = vector.load %arg4[%swap3A_185, %swap3A_186] : memref<8x5120xf32, #tpu.memory_space<vmem>>, vector<1x5120xf32>
      tpu.vector_store %arg4[%swap3A_185, %swap3A_186], %mul3A_169 {strides = array<i32>} : memref<8x5120xf32, #tpu.memory_space<vmem>>, vector<1x5120xf32>,
      %swap3A_188 = arith.constant 5 : index
      %swap3A_189 = arith.constant 0 : index
      %swap3A_190 = vector.load %arg4[%swap3A_188, %swap3A_189] : memref<8x5120xf32, #tpu.memory_space<vmem>>, vector<1x5120xf32>
      tpu.vector_store %arg4[%swap3A_188, %swap3A_189], %mul3A_171 {strides = array<i32>} : memref<8x5120xf32, #tpu.memory_space<vmem>>, vector<1x5120xf32>,
      %swap3A_191 = arith.constant 6 : index
      %swap3A_192 = arith.constant 0 : index
      %swap3A_193 = vector.load %arg4[%swap3A_191, %swap3A_192] : memref<8x5120xf32, #tpu.memory_space<vmem>>, vector<1x5120xf32>
      tpu.vector_store %arg4[%swap3A_191, %swap3A_192], %add3A_172 {strides = array<i32>} : memref<8x5120xf32, #tpu.memory_space<vmem>>, vector<1x5120xf32>,
      %broadcast_in_dim3A_194 = arith.constant 0.000000e+00 : f32
      %broadcast_in_dim3A_195 = vector.broadcast %broadcast_in_dim3A_194 : f32 to vector<1x5120xf32>
      %swap3A_196 = arith.constant 7 : index
      %swap3A_197 = arith.constant 0 : index
      %swap3A_198 = vector.load %arg4[%swap3A_196, %swap3A_197] : memref<8x5120xf32, #tpu.memory_space<vmem>>, vector<1x5120xf32>
      tpu.vector_store %arg4[%swap3A_196, %swap3A_197], %broadcast_in_dim3A_195 {strides = array<i32>} : memref<8x5120xf32, #tpu.memory_space<vmem>>, vector<1x5120xf32>,
      %max3A_199 = arith.constant 2.000000e-01 : f32
      %max3A_200 = vector.broadcast %max3A_199 : f32 to vector<1x5120xf32>
      %max3A_201 = arith.maximumf %mul3A_171, %max3A_200 : vector<1x5120xf32>
      %mul3A_202 = arith.constant 5.000000e-01 : f32
      %mul3A_203 = vector.broadcast %mul3A_202 : f32 to vector<1x5120xf32>
      %mul3A_204 = arith.mulf %mul3A_167, %mul3A_203 : vector<1x5120xf32>
      %sub3A_205 = arith.subf %add3A_162, %mul3A_204 : vector<1x5120xf32>
      %swap3A_206 = arith.constant 0 : index
      %swap3A_207 = arith.constant 0 : index
      %swap3A_208 = vector.load %arg6[%swap3A_206, %swap3A_207] : memref<8x5120xf32, #tpu.memory_space<vmem>>, vector<1x5120xf32>
      tpu.vector_store %arg6[%swap3A_206, %swap3A_207], %sub3A_205 {strides = array<i32>} : memref<8x5120xf32, #tpu.memory_space<vmem>>, vector<1x5120xf32>,
      %mul3A_209 = arith.constant 5.000000e-01 : f32
      %mul3A_210 = vector.broadcast %mul3A_209 : f32 to vector<1x5120xf32>
      %mul3A_211 = arith.mulf %mul3A_167, %mul3A_210 : vector<1x5120xf32>
      %add3A_212 = arith.addf %add3A_162, %mul3A_211 : vector<1x5120xf32>
      %swap3A_213 = arith.constant 1 : index
      %swap3A_214 = arith.constant 0 : index
      %swap3A_215 = vector.load %arg6[%swap3A_213, %swap3A_214] : memref<8x5120xf32, #tpu.memory_space<vmem>>, vector<1x5120xf32>
      tpu.vector_store %arg6[%swap3A_213, %swap3A_214], %add3A_212 {strides = array<i32>} : memref<8x5120xf32, #tpu.memory_space<vmem>>, vector<1x5120xf32>,
      %mul3A_216 = arith.constant 5.000000e-01 : f32
      %mul3A_217 = vector.broadcast %mul3A_216 : f32 to vector<1x5120xf32>
      %mul3A_218 = arith.mulf %mul3A_169, %mul3A_217 : vector<1x5120xf32>
      %sub3A_219 = arith.subf %add3A_164, %mul3A_218 : vector<1x5120xf32>
      %swap3A_220 = arith.constant 2 : index
      %swap3A_221 = arith.constant 0 : index
      %swap3A_222 = vector.load %arg6[%swap3A_220, %swap3A_221] : memref<8x5120xf32, #tpu.memory_space<vmem>>, vector<1x5120xf32>
      tpu.vector_store %arg6[%swap3A_220, %swap3A_221], %sub3A_219 {strides = array<i32>} : memref<8x5120xf32, #tpu.memory_space<vmem>>, vector<1x5120xf32>,
      %mul3A_223 = arith.constant 5.000000e-01 : f32
      %mul3A_224 = vector.broadcast %mul3A_223 : f32 to vector<1x5120xf32>
      %mul3A_225 = arith.mulf %mul3A_169, %mul3A_224 : vector<1x5120xf32>
      %add3A_226 = arith.addf %add3A_164, %mul3A_225 : vector<1x5120xf32>
      %swap3A_227 = arith.constant 3 : index
      %swap3A_228 = arith.constant 0 : index
      %swap3A_229 = vector.load %arg6[%swap3A_227, %swap3A_228] : memref<8x5120xf32, #tpu.memory_space<vmem>>, vector<1x5120xf32>
      tpu.vector_store %arg6[%swap3A_227, %swap3A_228], %add3A_226 {strides = array<i32>} : memref<8x5120xf32, #tpu.memory_space<vmem>>, vector<1x5120xf32>,
      %swap3A_230 = arith.constant 4 : index
      %swap3A_231 = arith.constant 0 : index
      %swap3A_232 = vector.load %arg6[%swap3A_230, %swap3A_231] : memref<8x5120xf32, #tpu.memory_space<vmem>>, vector<1x5120xf32>
      tpu.vector_store %arg6[%swap3A_230, %swap3A_231], %add3A_166 {strides = array<i32>} : memref<8x5120xf32, #tpu.memory_space<vmem>>, vector<1x5120xf32>,
      %add3A_233 = arith.addf %add3A_166, %max3A_201 : vector<1x5120xf32>
      %swap3A_234 = arith.constant 5 : index
      %swap3A_235 = arith.constant 0 : index
      %swap3A_236 = vector.load %arg6[%swap3A_234, %swap3A_235] : memref<8x5120xf32, #tpu.memory_space<vmem>>, vector<1x5120xf32>
      tpu.vector_store %arg6[%swap3A_234, %swap3A_235], %add3A_233 {strides = array<i32>} : memref<8x5120xf32, #tpu.memory_space<vmem>>, vector<1x5120xf32>,
      %mul3A_237 = arith.mulf %mul3A_167, %mul3A_169 : vector<1x5120xf32>
      %mul3A_238 = arith.mulf %mul3A_237, %max3A_201 : vector<1x5120xf32>
      %swap3A_239 = arith.constant 6 : index
      %swap3A_240 = arith.constant 0 : index
      %swap3A_241 = vector.load %arg6[%swap3A_239, %swap3A_240] : memref<8x5120xf32, #tpu.memory_space<vmem>>, vector<1x5120xf32>
      tpu.vector_store %arg6[%swap3A_239, %swap3A_240], %mul3A_238 {strides = array<i32>} : memref<8x5120xf32, #tpu.memory_space<vmem>>, vector<1x5120xf32>,
      %broadcast_in_dim3A_242 = arith.constant 0.000000e+00 : f32
      %broadcast_in_dim3A_243 = vector.broadcast %broadcast_in_dim3A_242 : f32 to vector<1x5120xf32>
      %swap3A_244 = arith.constant 7 : index
      %swap3A_245 = arith.constant 0 : index
      %swap3A_246 = vector.load %arg6[%swap3A_244, %swap3A_245] : memref<8x5120xf32, #tpu.memory_space<vmem>>, vector<1x5120xf32>
      tpu.vector_store %arg6[%swap3A_244, %swap3A_245], %broadcast_in_dim3A_243 {strides = array<i32>} : memref<8x5120xf32, #tpu.memory_space<vmem>>, vector<1x5120xf32>,
      %ge3A = arith.constant 0.00999999977 : f32
      %ge3A_247 = vector.broadcast %ge3A : f32 to vector<1x5120xf32>
      %ge3A_248 = arith.cmpf oge, %mul3A_167, %ge3A_247 : vector<1x5120xf32>
      %ge3A_249 = arith.constant 0.00999999977 : f32
      %ge3A_250 = vector.broadcast %ge3A_249 : f32 to vector<1x5120xf32>
      %ge3A_251 = arith.cmpf oge, %mul3A_169, %ge3A_250 : vector<1x5120xf32>
      %and3A = arith.andi %ge3A_248, %ge3A_251 : vector<1x5120xi1>
      %ge3A_252 = arith.constant 0.00999999977 : f32
      %ge3A_253 = vector.broadcast %ge3A_252 : f32 to vector<1x5120xf32>
      %ge3A_254 = arith.cmpf oge, %mul3A_171, %ge3A_253 : vector<1x5120xf32>
      %and3A_255 = arith.andi %and3A, %ge3A_254 : vector<1x5120xi1>
      %jit3A_256 = arith.constant 0.000000e+00 : f32
      %jit3A_257 = arith.constant 1.000000e+00 : f32
      %broadcast_in_dim3A_258 = vector.broadcast %jit3A_256 : f32 to vector<1x5120xf32>
      %broadcast_in_dim3A_259 = vector.broadcast %jit3A_257 : f32 to vector<1x5120xf32>
      %select_n3A_260 = arith.select %and3A_255, %broadcast_in_dim3A_258, %broadcast_in_dim3A_259 : vector<1x5120xi1>, vector<1x5120xf32>
      %swap3A_261 = arith.constant 0 : index
      %swap3A_262 = arith.constant 0 : index
      %swap3A_263 = vector.load %arg7[%swap3A_261, %swap3A_262] : memref<1x5120xf32, #tpu.memory_space<vmem>>, vector<1x5120xf32>
      tpu.vector_store %arg7[%swap3A_261, %swap3A_262], %select_n3A_260 {strides = array<i32>} : memref<1x5120xf32, #tpu.memory_space<vmem>>, vector<1x5120xf32>,
    } else {
    }
    %get3A = arith.constant 0 : index
    %get3A_3 = arith.index_cast %mul3A_0 : i32 to index
    %get3A_4 = vector.load %arg6[%get3A, %get3A_3] : memref<8x5120xf32, #tpu.memory_space<vmem>>, vector<8x256xf32>
    %iota3A = tpu.iota {dimensions = array<i32: 0>} : vector<256x256xi32>
    %iota3A_5 = tpu.iota {dimensions = array<i32: 1>} : vector<256x256xi32>
    %eq3A_6 = arith.cmpi eq, %iota3A, %iota3A_5 : vector<256x256xi32>
    %convert_element_type3A_7 = arith.extui %eq3A_6 : vector<256x256xi1> to vector<256x256xi32>
    %convert_element_type3A_8 = arith.sitofp %convert_element_type3A_7 : vector<256x256xi32> to vector<256x256xf32>
    %dot_general3A = arith.constant dense<0.000000e+00> : vector<256x8xf32>
    %dot_general3A_9 = tpu.matmul %convert_element_type3A_8, %get3A_4, %dot_general3A {dimension_numbers = #tpu.dot_dimension_numbers<[1], [1], [0], [0], [0, 0, 1, 0], [], []>, transpose_lhs_hint = false} : vector<256x256xf32>, vector<8x256xf32>, vector<256x8xf32> -> vector<256x8xf32>
    %slice3A = vector.extract_strided_slice %dot_general3A_9 {offsets = [0, 0], sizes = [256, 1], strides = [1, 1]} : vector<256x8xf32> to vector<256x1xf32>
    %slice3A_10 = vector.extract_strided_slice %dot_general3A_9 {offsets = [0, 1], sizes = [256, 1], strides = [1, 1]} : vector<256x8xf32> to vector<256x1xf32>
    %slice3A_11 = vector.extract_strided_slice %dot_general3A_9 {offsets = [0, 2], sizes = [256, 1], strides = [1, 1]} : vector<256x8xf32> to vector<256x1xf32>
    %slice3A_12 = vector.extract_strided_slice %dot_general3A_9 {offsets = [0, 3], sizes = [256, 1], strides = [1, 1]} : vector<256x8xf32> to vector<256x1xf32>
    %slice3A_13 = vector.extract_strided_slice %dot_general3A_9 {offsets = [0, 4], sizes = [256, 1], strides = [1, 1]} : vector<256x8xf32> to vector<256x1xf32>
    %slice3A_14 = vector.extract_strided_slice %dot_general3A_9 {offsets = [0, 5], sizes = [256, 1], strides = [1, 1]} : vector<256x8xf32> to vector<256x1xf32>
    %slice3A_15 = vector.extract_strided_slice %dot_general3A_9 {offsets = [0, 6], sizes = [256, 1], strides = [1, 1]} : vector<256x8xf32> to vector<256x1xf32>
    %get3A_16 = arith.constant 0 : index
    %get3A_17 = arith.constant 0 : index
    %get3A_18 = vector.load %arg6[%get3A_16, %get3A_17] : memref<8x5120xf32, #tpu.memory_space<vmem>>, vector<1x5120xf32>
    %get3A_19 = arith.constant 1 : index
    %get3A_20 = arith.constant 0 : index
    %get3A_21 = vector.load %arg6[%get3A_19, %get3A_20] : memref<8x5120xf32, #tpu.memory_space<vmem>>, vector<1x5120xf32>
    %get3A_22 = arith.constant 2 : index
    %get3A_23 = arith.constant 0 : index
    %get3A_24 = vector.load %arg6[%get3A_22, %get3A_23] : memref<8x5120xf32, #tpu.memory_space<vmem>>, vector<1x5120xf32>
    %get3A_25 = arith.constant 3 : index
    %get3A_26 = arith.constant 0 : index
    %get3A_27 = vector.load %arg6[%get3A_25, %get3A_26] : memref<8x5120xf32, #tpu.memory_space<vmem>>, vector<1x5120xf32>
    %get3A_28 = arith.constant 4 : index
    %get3A_29 = arith.constant 0 : index
    %get3A_30 = vector.load %arg6[%get3A_28, %get3A_29] : memref<8x5120xf32, #tpu.memory_space<vmem>>, vector<1x5120xf32>
    %get3A_31 = arith.constant 5 : index
    %get3A_32 = arith.constant 0 : index
    %get3A_33 = vector.load %arg6[%get3A_31, %get3A_32] : memref<8x5120xf32, #tpu.memory_space<vmem>>, vector<1x5120xf32>
    %get3A_34 = arith.constant 6 : index
    %get3A_35 = arith.constant 0 : index
    %get3A_36 = vector.load %arg6[%get3A_34, %get3A_35] : memref<8x5120xf32, #tpu.memory_space<vmem>>, vector<1x5120xf32>
    %min3A = vector.broadcast %slice3A_10 : vector<256x1xf32> to vector<256x5120xf32>
    %min3A_37 = vector.broadcast %get3A_21 : vector<1x5120xf32> to vector<256x5120xf32>
    %min3A_38 = arith.minimumf %min3A, %min3A_37 : vector<256x5120xf32>
    %max3A = vector.broadcast %slice3A : vector<256x1xf32> to vector<256x5120xf32>
    %max3A_39 = vector.broadcast %get3A_18 : vector<1x5120xf32> to vector<256x5120xf32>
    %max3A_40 = arith.maximumf %max3A, %max3A_39 : vector<256x5120xf32>
    %sub3A = arith.subf %min3A_38, %max3A_40 : vector<256x5120xf32>
    %max3A_41 = arith.constant 0.000000e+00 : f32
    %max3A_42 = vector.broadcast %max3A_41 : f32 to vector<256x5120xf32>
    %max3A_43 = arith.maximumf %max3A_42, %sub3A : vector<256x5120xf32>
    %min3A_44 = vector.broadcast %slice3A_12 : vector<256x1xf32> to vector<256x5120xf32>
    %min3A_45 = vector.broadcast %get3A_27 : vector<1x5120xf32> to vector<256x5120xf32>
    %min3A_46 = arith.minimumf %min3A_44, %min3A_45 : vector<256x5120xf32>
    %max3A_47 = vector.broadcast %slice3A_11 : vector<256x1xf32> to vector<256x5120xf32>
    %max3A_48 = vector.broadcast %get3A_24 : vector<1x5120xf32> to vector<256x5120xf32>
    %max3A_49 = arith.maximumf %max3A_47, %max3A_48 : vector<256x5120xf32>
    %sub3A_50 = arith.subf %min3A_46, %max3A_49 : vector<256x5120xf32>
    %max3A_51 = arith.constant 0.000000e+00 : f32
    %max3A_52 = vector.broadcast %max3A_51 : f32 to vector<256x5120xf32>
    %max3A_53 = arith.maximumf %max3A_52, %sub3A_50 : vector<256x5120xf32>
    %min3A_54 = vector.broadcast %slice3A_14 : vector<256x1xf32> to vector<256x5120xf32>
    %min3A_55 = vector.broadcast %get3A_33 : vector<1x5120xf32> to vector<256x5120xf32>
    %min3A_56 = arith.minimumf %min3A_54, %min3A_55 : vector<256x5120xf32>
    %max3A_57 = vector.broadcast %slice3A_13 : vector<256x1xf32> to vector<256x5120xf32>
    %max3A_58 = vector.broadcast %get3A_30 : vector<1x5120xf32> to vector<256x5120xf32>
    %max3A_59 = arith.maximumf %max3A_57, %max3A_58 : vector<256x5120xf32>
    %sub3A_60 = arith.subf %min3A_56, %max3A_59 : vector<256x5120xf32>
    %max3A_61 = arith.constant 0.000000e+00 : f32
    %max3A_62 = vector.broadcast %max3A_61 : f32 to vector<256x5120xf32>
    %max3A_63 = arith.maximumf %max3A_62, %sub3A_60 : vector<256x5120xf32>
    %mul3A_64 = arith.mulf %max3A_43, %max3A_53 : vector<256x5120xf32>
    %mul3A_65 = arith.mulf %mul3A_64, %max3A_63 : vector<256x5120xf32>
    %add3A = vector.broadcast %slice3A_15 : vector<256x1xf32> to vector<256x5120xf32>
    %add3A_66 = vector.broadcast %get3A_36 : vector<1x5120xf32> to vector<256x5120xf32>
    %add3A_67 = arith.addf %add3A, %add3A_66 : vector<256x5120xf32>
    %sub3A_68 = arith.subf %add3A_67, %mul3A_65 : vector<256x5120xf32>
    %add3A_69 = arith.constant 9.99999997E-7 : f32
    %add3A_70 = vector.broadcast %add3A_69 : f32 to vector<256x5120xf32>
    %add3A_71 = arith.addf %sub3A_68, %add3A_70 : vector<256x5120xf32>
    %mul3A_72 = arith.constant 0.699999988 : f32
    %mul3A_73 = vector.broadcast %mul3A_72 : f32 to vector<256x5120xf32>
    %mul3A_74 = arith.mulf %mul3A_73, %add3A_71 : vector<256x5120xf32>
    %gt3A = arith.cmpf ogt, %mul3A_65, %mul3A_74 : vector<256x5120xf32>
    %convert_element_type3A_75 = arith.extui %gt3A : vector<256x5120xi1> to vector<256x5120xi32>
    %convert_element_type3A_76 = arith.sitofp %convert_element_type3A_75 : vector<256x5120xi32> to vector<256x5120xf32>
    %swap3A = arith.constant 0 : index
    %swap3A_77 = arith.constant 0 : index
    %swap3A_78 = vector.load %arg8[%swap3A, %swap3A_77] : memref<256x5120xf32, #tpu.memory_space<vmem>>, vector<256x5120xf32>
    tpu.vector_store %arg8[%swap3A, %swap3A_77], %convert_element_type3A_76 {strides = array<i32>} : memref<256x5120xf32, #tpu.memory_space<vmem>>, vector<256x5120xf32>,
    %get3A_79 = arith.constant 0 : index
    %get3A_80 = arith.index_cast %mul3A_0 : i32 to index
    %get3A_81 = vector.load %arg7[%get3A_79, %get3A_80] : memref<1x5120xf32, #tpu.memory_space<vmem>>, vector<1x256xf32>
    %broadcast_in_dim3A = arith.constant 0.000000e+00 : f32
    %broadcast_in_dim3A_82 = vector.broadcast %broadcast_in_dim3A : f32 to vector<1x256xf32>
    %iota3A_83 = tpu.iota {dimensions = array<i32: 1>} : vector<1x256xi32>
    %scan3A = arith.constant 0 : i32
    %scan3A_84 = arith.constant 32 : i32
    %scan3A_85 = arith.addi %scan3A, %scan3A_84 : i32
    %scan3A_86 = arith.constant 1 : i32
    %scan3A_87:2 = scf.for %scan3A_116 = %scan3A to %scan3A_85 step %scan3A_86 iter_args(%scan3A_117 = %get3A_81, %scan3A_118 = %broadcast_in_dim3A_82) -> (vector<1x256xf32>, vector<1x256xf32>)  : i32 {
      %mul3A_119 = arith.constant 8 : i32
      %mul3A_120 = arith.muli %mul3A_119, %scan3A_116 : i32
      %get3A_121 = arith.index_cast %mul3A_120 : i32 to index
      %get3A_122 = arith.index_cast %mul3A_0 : i32 to index
      %get3A_123 = vector.load %arg8[%get3A_121, %get3A_122] : memref<256x5120xf32, #tpu.memory_space<vmem>>, vector<8x256xf32>
      %mul3A_124 = arith.constant 8 : i32
      %mul3A_125 = arith.muli %mul3A_124, %scan3A_116 : i32
      %add3A_126 = arith.constant 0 : i32
      %add3A_127 = arith.addi %mul3A_125, %add3A_126 : i32
      %eq3A_128 = vector.broadcast %add3A_127 : i32 to vector<1x256xi32>
      %eq3A_129 = arith.cmpi eq, %iota3A_83, %eq3A_128 : vector<1x256xi32>
      %convert_element_type3A_130 = arith.extui %eq3A_129 : vector<1x256xi1> to vector<1x256xi32>
      %convert_element_type3A_131 = arith.sitofp %convert_element_type3A_130 : vector<1x256xi32> to vector<1x256xf32>
      %mul3A_132 = arith.mulf %convert_element_type3A_131, %scan3A_117 : vector<1x256xf32>
      %reduce_max3A = arith.constant dense<0xFF800000> : vector<1xf32>
      %reduce_max3A_133 = vector.multi_reduction <maximumf>, %mul3A_132, %reduce_max3A [1] : vector<1x256xf32> to vector<1xf32>
      %broadcast_in_dim3A_134 = vector.shape_cast %reduce_max3A_133 : vector<1xf32> to vector<1x1xf32>
      %sub3A_135 = arith.constant 1.000000e+00 : f32
      %sub3A_136 = vector.broadcast %sub3A_135 : f32 to vector<1x1xf32>
      %sub3A_137 = arith.subf %sub3A_136, %broadcast_in_dim3A_134 : vector<1x1xf32>
      %mul3A_138 = vector.broadcast %sub3A_137 : vector<1x1xf32> to vector<1x256xf32>
      %mul3A_139 = arith.mulf %convert_element_type3A_131, %mul3A_138 : vector<1x256xf32>
      %add3A_140 = arith.addf %scan3A_118, %mul3A_139 : vector<1x256xf32>
      %slice3A_141 = vector.extract_strided_slice %get3A_123 {offsets = [0, 0], sizes = [1, 256], strides = [1, 1]} : vector<8x256xf32> to vector<1x256xf32>
      %mul3A_142 = vector.broadcast %sub3A_137 : vector<1x1xf32> to vector<1x256xf32>
      %mul3A_143 = arith.mulf %mul3A_142, %slice3A_141 : vector<1x256xf32>
      %max3A_144 = arith.maximumf %scan3A_117, %mul3A_143 : vector<1x256xf32>
      %mul3A_145 = arith.constant 8 : i32
      %mul3A_146 = arith.muli %mul3A_145, %scan3A_116 : i32
      %add3A_147 = arith.constant 1 : i32
      %add3A_148 = arith.addi %mul3A_146, %add3A_147 : i32
      %eq3A_149 = vector.broadcast %add3A_148 : i32 to vector<1x256xi32>
      %eq3A_150 = arith.cmpi eq, %iota3A_83, %eq3A_149 : vector<1x256xi32>
      %convert_element_type3A_151 = arith.extui %eq3A_150 : vector<1x256xi1> to vector<1x256xi32>
      %convert_element_type3A_152 = arith.sitofp %convert_element_type3A_151 : vector<1x256xi32> to vector<1x256xf32>
      %mul3A_153 = arith.mulf %convert_element_type3A_152, %max3A_144 : vector<1x256xf32>
      %reduce_max3A_154 = arith.constant dense<0xFF800000> : vector<1xf32>
      %reduce_max3A_155 = vector.multi_reduction <maximumf>, %mul3A_153, %reduce_max3A_154 [1] : vector<1x256xf32> to vector<1xf32>
      %broadcast_in_dim3A_156 = vector.shape_cast %reduce_max3A_155 : vector<1xf32> to vector<1x1xf32>
      %sub3A_157 = arith.constant 1.000000e+00 : f32
      %sub3A_158 = vector.broadcast %sub3A_157 : f32 to vector<1x1xf32>
      %sub3A_159 = arith.subf %sub3A_158, %broadcast_in_dim3A_156 : vector<1x1xf32>
      %mul3A_160 = vector.broadcast %sub3A_159 : vector<1x1xf32> to vector<1x256xf32>
      %mul3A_161 = arith.mulf %convert_element_type3A_152, %mul3A_160 : vector<1x256xf32>
      %add3A_162 = arith.addf %add3A_140, %mul3A_161 : vector<1x256xf32>
      %slice3A_163 = vector.extract_strided_slice %get3A_123 {offsets = [1, 0], sizes = [1, 256], strides = [1, 1]} : vector<8x256xf32> to vector<1x256xf32>
      %mul3A_164 = vector.broadcast %sub3A_159 : vector<1x1xf32> to vector<1x256xf32>
      %mul3A_165 = arith.mulf %mul3A_164, %slice3A_163 : vector<1x256xf32>
      %max3A_166 = arith.maximumf %max3A_144, %mul3A_165 : vector<1x256xf32>
      %mul3A_167 = arith.constant 8 : i32
      %mul3A_168 = arith.muli %mul3A_167, %scan3A_116 : i32
      %add3A_169 = arith.constant 2 : i32
      %add3A_170 = arith.addi %mul3A_168, %add3A_169 : i32
      %eq3A_171 = vector.broadcast %add3A_170 : i32 to vector<1x256xi32>
      %eq3A_172 = arith.cmpi eq, %iota3A_83, %eq3A_171 : vector<1x256xi32>
      %convert_element_type3A_173 = arith.extui %eq3A_172 : vector<1x256xi1> to vector<1x256xi32>
      %convert_element_type3A_174 = arith.sitofp %convert_element_type3A_173 : vector<1x256xi32> to vector<1x256xf32>
      %mul3A_175 = arith.mulf %convert_element_type3A_174, %max3A_166 : vector<1x256xf32>
      %reduce_max3A_176 = arith.constant dense<0xFF800000> : vector<1xf32>
      %reduce_max3A_177 = vector.multi_reduction <maximumf>, %mul3A_175, %reduce_max3A_176 [1] : vector<1x256xf32> to vector<1xf32>
      %broadcast_in_dim3A_178 = vector.shape_cast %reduce_max3A_177 : vector<1xf32> to vector<1x1xf32>
      %sub3A_179 = arith.constant 1.000000e+00 : f32
      %sub3A_180 = vector.broadcast %sub3A_179 : f32 to vector<1x1xf32>
      %sub3A_181 = arith.subf %sub3A_180, %broadcast_in_dim3A_178 : vector<1x1xf32>
      %mul3A_182 = vector.broadcast %sub3A_181 : vector<1x1xf32> to vector<1x256xf32>
      %mul3A_183 = arith.mulf %convert_element_type3A_174, %mul3A_182 : vector<1x256xf32>
      %add3A_184 = arith.addf %add3A_162, %mul3A_183 : vector<1x256xf32>
      %slice3A_185 = vector.extract_strided_slice %get3A_123 {offsets = [2, 0], sizes = [1, 256], strides = [1, 1]} : vector<8x256xf32> to vector<1x256xf32>
      %mul3A_186 = vector.broadcast %sub3A_181 : vector<1x1xf32> to vector<1x256xf32>
      %mul3A_187 = arith.mulf %mul3A_186, %slice3A_185 : vector<1x256xf32>
      %max3A_188 = arith.maximumf %max3A_166, %mul3A_187 : vector<1x256xf32>
      %mul3A_189 = arith.constant 8 : i32
      %mul3A_190 = arith.muli %mul3A_189, %scan3A_116 : i32
      %add3A_191 = arith.constant 3 : i32
      %add3A_192 = arith.addi %mul3A_190, %add3A_191 : i32
      %eq3A_193 = vector.broadcast %add3A_192 : i32 to vector<1x256xi32>
      %eq3A_194 = arith.cmpi eq, %iota3A_83, %eq3A_193 : vector<1x256xi32>
      %convert_element_type3A_195 = arith.extui %eq3A_194 : vector<1x256xi1> to vector<1x256xi32>
      %convert_element_type3A_196 = arith.sitofp %convert_element_type3A_195 : vector<1x256xi32> to vector<1x256xf32>
      %mul3A_197 = arith.mulf %convert_element_type3A_196, %max3A_188 : vector<1x256xf32>
      %reduce_max3A_198 = arith.constant dense<0xFF800000> : vector<1xf32>
      %reduce_max3A_199 = vector.multi_reduction <maximumf>, %mul3A_197, %reduce_max3A_198 [1] : vector<1x256xf32> to vector<1xf32>
      %broadcast_in_dim3A_200 = vector.shape_cast %reduce_max3A_199 : vector<1xf32> to vector<1x1xf32>
      %sub3A_201 = arith.constant 1.000000e+00 : f32
      %sub3A_202 = vector.broadcast %sub3A_201 : f32 to vector<1x1xf32>
      %sub3A_203 = arith.subf %sub3A_202, %broadcast_in_dim3A_200 : vector<1x1xf32>
      %mul3A_204 = vector.broadcast %sub3A_203 : vector<1x1xf32> to vector<1x256xf32>
      %mul3A_205 = arith.mulf %convert_element_type3A_196, %mul3A_204 : vector<1x256xf32>
      %add3A_206 = arith.addf %add3A_184, %mul3A_205 : vector<1x256xf32>
      %slice3A_207 = vector.extract_strided_slice %get3A_123 {offsets = [3, 0], sizes = [1, 256], strides = [1, 1]} : vector<8x256xf32> to vector<1x256xf32>
      %mul3A_208 = vector.broadcast %sub3A_203 : vector<1x1xf32> to vector<1x256xf32>
      %mul3A_209 = arith.mulf %mul3A_208, %slice3A_207 : vector<1x256xf32>
      %max3A_210 = arith.maximumf %max3A_188, %mul3A_209 : vector<1x256xf32>
      %mul3A_211 = arith.constant 8 : i32
      %mul3A_212 = arith.muli %mul3A_211, %scan3A_116 : i32
      %add3A_213 = arith.constant 4 : i32
      %add3A_214 = arith.addi %mul3A_212, %add3A_213 : i32
      %eq3A_215 = vector.broadcast %add3A_214 : i32 to vector<1x256xi32>
      %eq3A_216 = arith.cmpi eq, %iota3A_83, %eq3A_215 : vector<1x256xi32>
      %convert_element_type3A_217 = arith.extui %eq3A_216 : vector<1x256xi1> to vector<1x256xi32>
      %convert_element_type3A_218 = arith.sitofp %convert_element_type3A_217 : vector<1x256xi32> to vector<1x256xf32>
      %mul3A_219 = arith.mulf %convert_element_type3A_218, %max3A_210 : vector<1x256xf32>
      %reduce_max3A_220 = arith.constant dense<0xFF800000> : vector<1xf32>
      %reduce_max3A_221 = vector.multi_reduction <maximumf>, %mul3A_219, %reduce_max3A_220 [1] : vector<1x256xf32> to vector<1xf32>
      %broadcast_in_dim3A_222 = vector.shape_cast %reduce_max3A_221 : vector<1xf32> to vector<1x1xf32>
      %sub3A_223 = arith.constant 1.000000e+00 : f32
      %sub3A_224 = vector.broadcast %sub3A_223 : f32 to vector<1x1xf32>
      %sub3A_225 = arith.subf %sub3A_224, %broadcast_in_dim3A_222 : vector<1x1xf32>
      %mul3A_226 = vector.broadcast %sub3A_225 : vector<1x1xf32> to vector<1x256xf32>
      %mul3A_227 = arith.mulf %convert_element_type3A_218, %mul3A_226 : vector<1x256xf32>
      %add3A_228 = arith.addf %add3A_206, %mul3A_227 : vector<1x256xf32>
      %slice3A_229 = vector.extract_strided_slice %get3A_123 {offsets = [4, 0], sizes = [1, 256], strides = [1, 1]} : vector<8x256xf32> to vector<1x256xf32>
      %mul3A_230 = vector.broadcast %sub3A_225 : vector<1x1xf32> to vector<1x256xf32>
      %mul3A_231 = arith.mulf %mul3A_230, %slice3A_229 : vector<1x256xf32>
      %max3A_232 = arith.maximumf %max3A_210, %mul3A_231 : vector<1x256xf32>
      %mul3A_233 = arith.constant 8 : i32
      %mul3A_234 = arith.muli %mul3A_233, %scan3A_116 : i32
      %add3A_235 = arith.constant 5 : i32
      %add3A_236 = arith.addi %mul3A_234, %add3A_235 : i32
      %eq3A_237 = vector.broadcast %add3A_236 : i32 to vector<1x256xi32>
      %eq3A_238 = arith.cmpi eq, %iota3A_83, %eq3A_237 : vector<1x256xi32>
      %convert_element_type3A_239 = arith.extui %eq3A_238 : vector<1x256xi1> to vector<1x256xi32>
      %convert_element_type3A_240 = arith.sitofp %convert_element_type3A_239 : vector<1x256xi32> to vector<1x256xf32>
      %mul3A_241 = arith.mulf %convert_element_type3A_240, %max3A_232 : vector<1x256xf32>
      %reduce_max3A_242 = arith.constant dense<0xFF800000> : vector<1xf32>
      %reduce_max3A_243 = vector.multi_reduction <maximumf>, %mul3A_241, %reduce_max3A_242 [1] : vector<1x256xf32> to vector<1xf32>
      %broadcast_in_dim3A_244 = vector.shape_cast %reduce_max3A_243 : vector<1xf32> to vector<1x1xf32>
      %sub3A_245 = arith.constant 1.000000e+00 : f32
      %sub3A_246 = vector.broadcast %sub3A_245 : f32 to vector<1x1xf32>
      %sub3A_247 = arith.subf %sub3A_246, %broadcast_in_dim3A_244 : vector<1x1xf32>
      %mul3A_248 = vector.broadcast %sub3A_247 : vector<1x1xf32> to vector<1x256xf32>
      %mul3A_249 = arith.mulf %convert_element_type3A_240, %mul3A_248 : vector<1x256xf32>
      %add3A_250 = arith.addf %add3A_228, %mul3A_249 : vector<1x256xf32>
      %slice3A_251 = vector.extract_strided_slice %get3A_123 {offsets = [5, 0], sizes = [1, 256], strides = [1, 1]} : vector<8x256xf32> to vector<1x256xf32>
      %mul3A_252 = vector.broadcast %sub3A_247 : vector<1x1xf32> to vector<1x256xf32>
      %mul3A_253 = arith.mulf %mul3A_252, %slice3A_251 : vector<1x256xf32>
      %max3A_254 = arith.maximumf %max3A_232, %mul3A_253 : vector<1x256xf32>
      %mul3A_255 = arith.constant 8 : i32
      %mul3A_256 = arith.muli %mul3A_255, %scan3A_116 : i32
      %add3A_257 = arith.constant 6 : i32
      %add3A_258 = arith.addi %mul3A_256, %add3A_257 : i32
      %eq3A_259 = vector.broadcast %add3A_258 : i32 to vector<1x256xi32>
      %eq3A_260 = arith.cmpi eq, %iota3A_83, %eq3A_259 : vector<1x256xi32>
      %convert_element_type3A_261 = arith.extui %eq3A_260 : vector<1x256xi1> to vector<1x256xi32>
      %convert_element_type3A_262 = arith.sitofp %convert_element_type3A_261 : vector<1x256xi32> to vector<1x256xf32>
      %mul3A_263 = arith.mulf %convert_element_type3A_262, %max3A_254 : vector<1x256xf32>
      %reduce_max3A_264 = arith.constant dense<0xFF800000> : vector<1xf32>
      %reduce_max3A_265 = vector.multi_reduction <maximumf>, %mul3A_263, %reduce_max3A_264 [1] : vector<1x256xf32> to vector<1xf32>
      %broadcast_in_dim3A_266 = vector.shape_cast %reduce_max3A_265 : vector<1xf32> to vector<1x1xf32>
      %sub3A_267 = arith.constant 1.000000e+00 : f32
      %sub3A_268 = vector.broadcast %sub3A_267 : f32 to vector<1x1xf32>
      %sub3A_269 = arith.subf %sub3A_268, %broadcast_in_dim3A_266 : vector<1x1xf32>
      %mul3A_270 = vector.broadcast %sub3A_269 : vector<1x1xf32> to vector<1x256xf32>
      %mul3A_271 = arith.mulf %convert_element_type3A_262, %mul3A_270 : vector<1x256xf32>
      %add3A_272 = arith.addf %add3A_250, %mul3A_271 : vector<1x256xf32>
      %slice3A_273 = vector.extract_strided_slice %get3A_123 {offsets = [6, 0], sizes = [1, 256], strides = [1, 1]} : vector<8x256xf32> to vector<1x256xf32>
      %mul3A_274 = vector.broadcast %sub3A_269 : vector<1x1xf32> to vector<1x256xf32>
      %mul3A_275 = arith.mulf %mul3A_274, %slice3A_273 : vector<1x256xf32>
      %max3A_276 = arith.maximumf %max3A_254, %mul3A_275 : vector<1x256xf32>
      %mul3A_277 = arith.constant 8 : i32
      %mul3A_278 = arith.muli %mul3A_277, %scan3A_116 : i32
      %add3A_279 = arith.constant 7 : i32
      %add3A_280 = arith.addi %mul3A_278, %add3A_279 : i32
      %eq3A_281 = vector.broadcast %add3A_280 : i32 to vector<1x256xi32>
      %eq3A_282 = arith.cmpi eq, %iota3A_83, %eq3A_281 : vector<1x256xi32>
      %convert_element_type3A_283 = arith.extui %eq3A_282 : vector<1x256xi1> to vector<1x256xi32>
      %convert_element_type3A_284 = arith.sitofp %convert_element_type3A_283 : vector<1x256xi32> to vector<1x256xf32>
      %mul3A_285 = arith.mulf %convert_element_type3A_284, %max3A_276 : vector<1x256xf32>
      %reduce_max3A_286 = arith.constant dense<0xFF800000> : vector<1xf32>
      %reduce_max3A_287 = vector.multi_reduction <maximumf>, %mul3A_285, %reduce_max3A_286 [1] : vector<1x256xf32> to vector<1xf32>
      %broadcast_in_dim3A_288 = vector.shape_cast %reduce_max3A_287 : vector<1xf32> to vector<1x1xf32>
      %sub3A_289 = arith.constant 1.000000e+00 : f32
      %sub3A_290 = vector.broadcast %sub3A_289 : f32 to vector<1x1xf32>
      %sub3A_291 = arith.subf %sub3A_290, %broadcast_in_dim3A_288 : vector<1x1xf32>
      %mul3A_292 = vector.broadcast %sub3A_291 : vector<1x1xf32> to vector<1x256xf32>
      %mul3A_293 = arith.mulf %convert_element_type3A_284, %mul3A_292 : vector<1x256xf32>
      %add3A_294 = arith.addf %add3A_272, %mul3A_293 : vector<1x256xf32>
      %slice3A_295 = vector.extract_strided_slice %get3A_123 {offsets = [7, 0], sizes = [1, 256], strides = [1, 1]} : vector<8x256xf32> to vector<1x256xf32>
      %mul3A_296 = vector.broadcast %sub3A_291 : vector<1x1xf32> to vector<1x256xf32>
      %mul3A_297 = arith.mulf %mul3A_296, %slice3A_295 : vector<1x256xf32>
      %max3A_298 = arith.maximumf %max3A_276, %mul3A_297 : vector<1x256xf32>
      scf.yield %max3A_298, %add3A_294 : vector<1x256xf32>, vector<1x256xf32>
    }
    %scan3A_88 = arith.constant 32 : i32
    %dot_general3A_89 = arith.constant dense<0.000000e+00> : vector<1x5120xf32>
    %dot_general3A_90 = tpu.matmul %scan3A_87#1, %convert_element_type3A_76, %dot_general3A_89 {dimension_numbers = #tpu.dot_dimension_numbers<[1], [0], [0], [1], [0, 0, 1, 1], [], []>, transpose_lhs_hint = false} : vector<1x256xf32>, vector<256x5120xf32>, vector<1x5120xf32> -> vector<1x5120xf32>
    %get3A_91 = arith.constant 0 : index
    %get3A_92 = arith.constant 0 : index
    %get3A_93 = vector.load %arg7[%get3A_91, %get3A_92] : memref<1x5120xf32, #tpu.memory_space<vmem>>, vector<1x5120xf32>
    %gt3A_94 = arith.constant 5.000000e-01 : f32
    %gt3A_95 = vector.broadcast %gt3A_94 : f32 to vector<1x5120xf32>
    %gt3A_96 = arith.cmpf ogt, %dot_general3A_90, %gt3A_95 : vector<1x5120xf32>
    %jit3A = arith.constant 1.000000e+00 : f32
    %jit3A_97 = arith.constant 0.000000e+00 : f32
    %broadcast_in_dim3A_98 = vector.broadcast %jit3A : f32 to vector<1x5120xf32>
    %broadcast_in_dim3A_99 = vector.broadcast %jit3A_97 : f32 to vector<1x5120xf32>
    %select_n3A = arith.select %gt3A_96, %broadcast_in_dim3A_98, %broadcast_in_dim3A_99 : vector<1x5120xi1>, vector<1x5120xf32>
    %max3A_100 = arith.maximumf %get3A_93, %select_n3A : vector<1x5120xf32>
    %swap3A_101 = arith.constant 0 : index
    %swap3A_102 = arith.constant 0 : index
    %swap3A_103 = vector.load %arg7[%swap3A_101, %swap3A_102] : memref<1x5120xf32, #tpu.memory_space<vmem>>, vector<1x5120xf32>
    tpu.vector_store %arg7[%swap3A_101, %swap3A_102], %max3A_100 {strides = array<i32>} : memref<1x5120xf32, #tpu.memory_space<vmem>>, vector<1x5120xf32>,
    %gt3A_104 = arith.constant 5.000000e-01 : f32
    %gt3A_105 = vector.broadcast %gt3A_104 : f32 to vector<1x256xf32>
    %gt3A_106 = arith.cmpf ogt, %scan3A_87#1, %gt3A_105 : vector<1x256xf32>
    %get3A_107 = arith.constant 0 : index
    %get3A_108 = arith.index_cast %mul3A_0 : i32 to index
    %get3A_109 = vector.load %arg3[%get3A_107, %get3A_108] : memref<1x5120xf32, #tpu.memory_space<vmem>>, vector<1x256xf32>
    %jit3A_110 = arith.constant -1.000000e+00 : f32
    %broadcast_in_dim3A_111 = vector.broadcast %jit3A_110 : f32 to vector<1x256xf32>
    %select_n3A_112 = arith.select %gt3A_106, %get3A_109, %broadcast_in_dim3A_111 : vector<1x256xi1>, vector<1x256xf32>
    %swap3A_113 = arith.constant 0 : index
    %swap3A_114 = arith.index_cast %mul3A_0 : i32 to index
    %swap3A_115 = vector.load %arg5[%swap3A_113, %swap3A_114] : memref<1x5120xf32, #tpu.memory_space<vmem>>, vector<1x256xf32>
    tpu.vector_store %arg5[%swap3A_113, %swap3A_114], %select_n3A_112 {strides = array<i32>} : memref<1x5120xf32, #tpu.memory_space<vmem>>, vector<1x256xf32>,
    return
  }
  func.func @transform_0(%arg0: i32) -> (i32, i32) {
    %c0_i32 = arith.constant 0 : i32
    %c0_i32_0 = arith.constant 0 : i32
    %c0_i32_1 = arith.constant 0 : i32
    return %c0_i32, %c0_i32_0 : i32, i32
  }
  func.func @transform_1(%arg0: i32) -> (i32, i32) {
    %c0_i32 = arith.constant 0 : i32
    %c0_i32_0 = arith.constant 0 : i32
    %c0_i32_1 = arith.constant 0 : i32
    return %c0_i32, %c0_i32_0 : i32, i32
  }
  func.func @transform_2(%arg0: i32) -> (i32, i32) {
    %c0_i32 = arith.constant 0 : i32
    %c0_i32_0 = arith.constant 0 : i32
    %c0_i32_1 = arith.constant 0 : i32
    return %c0_i32, %c0_i32_0 : i32, i32
  }
  func.func @transform_3(%arg0: i32) -> (i32, i32) {
    %c0_i32 = arith.constant 0 : i32
    %c0_i32_0 = arith.constant 0 : i32
    %c0_i32_1 = arith.constant 0 : i32
    return %c0_i32, %c0_i32_0 : i32, i32
  }
  func.func @transform_4(%arg0: i32) -> (i32, i32) {
    %c0_i32 = arith.constant 0 : i32
    %c0_i32_0 = arith.constant 0 : i32
    %c0_i32_1 = arith.constant 0 : i32
    return %c0_i32, %c0_i32_0 : i32, i32
  }
}

</mosaic_0001>

<sc_bundles>
// kernel: gather_offload_async_start.1
scs
__scs_entry_jumppad:
0x0: {  	(pc) =	sbr.rel $0x88, $3  }
0x1: {  	(tag) =	ssettag $0x0;
	lr =	simm.s32 $0x1  }
0x2: {  	[smem:$0x3F9E] =	sst lr;
	_ =	strace $0xD0000000  }
0x3: {  	_ = 	snop  }
0x4: {  	_ = 	snop  }
0x5: {  	_ = 	snop  }
0x6: {  	_ = 	snop  }
0x7: {  	_ = 	snop  }
__scs_overlays_trampoline_lowered:
0x8: {  	[smem:$0x3FAD] =	sst s0  }
0x9: {  	[smem:$0x3FAE] =	sst s1  }
0xa: {  	[smem:$0x3FAF] =	sst s2  }
0xb: {  	[smem:$0x3FB0] =	sst s3  }
0xc: {  	[smem:$0x3FB1] =	sst s4  }
0xd: {  	[smem:$0x3FB2] =	sst s5  }
0xe: {  	[smem:$0x3FB3] =	sst s6  }
0xf: {  	[smem:$0x3FB4] =	sst s7  }
0x10: {  	[smem:$0x3FB5] =	sst s8  }
0x11: {  	[smem:$0x3FB6] =	sst s9;
	s0 =	simm.s32 @!p0 $0x0  }
0x12: {  	s1 =	sld [smem:$0x3F9C];
	s0 =	simm.s32 @p0 $0x1  }
0x13: {  	[smem:$0x3FB7] =	sst s0;
	s0 =	simm.s32 @!p1 $0x0  }
0x14: {  	s2 =	sld [smem:$0x3F9B];
	s0 =	simm.s32 @p1 $0x1  }
0x15: {  	[smem:$0x3FB8] =	sst s0;
	s0 =	simm.s32 @!p2 $0x0  }
0x16: {  	s3 =	sld [smem:$0x3FDB];
	s0 =	simm.s32 @p2 $0x1  }
0x17: {  	s4 =	simm.s32 $0x1BF5;
	[smem:$0x3FBA] =	sst s0  }
0x18: {  	s0 =	sld [smem:$0x3F9D];
	_ =	swait.ge [sflag:s4], $0x0  }
0x19: {  	s7 =	sld [smem:$0x3F9E]  }
0x1a: {  	s8 =	sadd.s32 $0xFFFFE003, lr  }
0x1b: {  	s9 =	sadd.s32 $0xFFFFFEF7, lr;
	s5 =	simm.s32 $0xFFFFFFFF;
	p2 =	slt.u32 s8, $0xFFFFF086  }
0x1c: {  	p1 =	slt.u32 s9, $0xF7A;
	s5 =	simm.s32 @!p2 $0x0  }
0x1d: {  	s5 =	simm.s32 @p1 $0x1;
	p0 =	seq.s32 s7, s2  }
0x1e: {  	s7 =	smul.u32 @!p0 $0xF7A, s2;
	p2 =	seq.s32 @!p0 s5, $0x0  }
0x1f: {  	s9 =	smul.u32 $0xF7A, s1;
	s8 =	simm.s32 @!p0 $0x1BF5;
	p2 =	por !p2, p0  }
0x20: {  	[sflag:s8] =	ssyncset.s32 @!p0 $0xFFFFF086;
	s6 =	sadd.s32 @!p0 s3, s7;
	s7 =	simm.s32 @!p0 $0x108  }
0x21: {  	s3 =	sadd.s32 s3, s9;
	s6 =	sadd.s32 @!p0 $0x88, s6;
	s7 =	simm.s32 @p2 $0x1082  }
0x22: {  	[simem:s7], [sflag:s8] =	dma.local @!p0 [hbm:s6], $0xF7A  }
0x23: {  	s9 =	sor.u32 $0xD0000000, s2;
	s6 =	simm.s32 $0x108;
	_ =	swait.ge @!p0 [sflag:s8], $0x0  }
0x24: {  	s3 =	sadd.s32 $0x88, s3;
	s6 =	simm.s32 @!p1 $0x1082;
	[sflag:s4] =	ssyncset.s32 $0xFFFFF086  }
0x25: {  	[simem:s6], [sflag:s4] =	dma.local [hbm:s3], $0xF7A  }
0x26: {  	[smem:$0x3F9E] =	sst s1;
	(tag) =	ssettag s2;
	_ =	strace s9  }
0x27: {  	s1 =	sld [smem:$0x3FAE]  }
0x28: {  	s2 =	sld [smem:$0x3FAF]  }
0x29: {  	s4 =	sld [smem:$0x3FB1]  }
0x2a: {  	p0 =	seq.s32 s5, $0x0;
	s5 =	sld [smem:$0x3FB2]  }
0x2b: {  	s6 =	sld [smem:$0x3FB3]  }
0x2c: {  	s7 =	sld [smem:$0x3FB4]  }
0x2d: {  	s3 =	simm.s32 $0x108;
	s8 =	sld [smem:$0x3FB5]  }
0x2e: {  	s3 =	simm.s32 @!p0 $0x1082;
	s9 =	sld [smem:$0x3FB6]  }
0x2f: {  	lr =	sadd.s32 s0, s3;
	s0 =	sld [smem:$0x3FAD]  }
0x30: {  	s3 =	sld [smem:$0x3FB0]  }
0x31: {  	[smem:$0x3FB9] =	sst s10  }
0x32: {  	s10 =	sld [smem:$0x3FB7];
	_ =	sdelay $0x3  }
0x33: {  	p0 =	seq.s32 s10, $0x1;
	s10 =	sld [smem:$0x3FB9];
	_ =	sdelay $0x3  }
0x34: {  	[smem:$0x3FB9] =	sst s10  }
0x35: {  	s10 =	sld [smem:$0x3FB8];
	_ =	sdelay $0x3  }
0x36: {  	p1 =	seq.s32 s10, $0x1;
	s10 =	sld [smem:$0x3FB9];
	_ =	sdelay $0x3  }
0x37: {  	[smem:$0x3FB9] =	sst s10  }
0x38: {  	s10 =	sld [smem:$0x3FBA]  }
0x39: {  	_ = 	snop;
	(pc) =	sbr.ind lr, $3  }
0x3a: {  	_ = 	snop  }
0x3b: {  	_ = 	snop  }
0x3c: {  	p2 =	seq.s32 s10, $0x1;
	s10 =	sld [smem:$0x3FB9]  }
0x3d: {  	_ =	shalt  }
0x3e: {  	_ =	shalt  }
0x3f: {  	_ =	shalt  }
0x40: {  	_ =	shalt  }
0x41: {  	_ =	shalt  }
0x42: {  	_ =	shalt  }
0x43: {  	_ =	shalt  }
0x44: {  	_ =	shalt  }
0x45: {  	_ =	shalt  }
0x46: {  	_ =	shalt  }
0x47: {  	_ =	shalt  }
0x48: {  	_ =	shalt  }
0x49: {  	_ =	shalt  }
0x4a: {  	_ =	shalt  }
0x4b: {  	_ =	shalt  }
0x4c: {  	_ =	shalt  }
0x4d: {  	_ =	shalt  }
0x4e: {  	_ =	shalt  }
0x4f: {  	_ =	shalt  }
0x50: {  	_ =	shalt  }
0x51: {  	_ =	shalt  }
0x52: {  	_ =	shalt  }
0x53: {  	_ =	shalt  }
0x54: {  	_ =	shalt  }
0x55: {  	_ =	shalt  }
0x56: {  	_ =	shalt  }
0x57: {  	_ =	shalt  }
0x58: {  	_ =	shalt  }
0x59: {  	_ =	shalt  }
0x5a: {  	_ =	shalt  }
0x5b: {  	_ =	shalt  }
0x5c: {  	_ =	shalt  }
0x5d: {  	_ =	shalt  }
0x5e: {  	_ =	shalt  }
0x5f: {  	_ =	shalt  }
0x60: {  	_ =	shalt  }
0x61: {  	_ =	shalt  }
0x62: {  	_ =	shalt  }
0x63: {  	_ =	shalt  }
0x64: {  	_ =	shalt  }
0x65: {  	_ =	shalt  }
0x66: {  	_ =	shalt  }
0x67: {  	_ =	shalt  }
0x68: {  	_ =	shalt  }
0x69: {  	_ =	shalt  }
0x6a: {  	_ =	shalt  }
0x6b: {  	_ =	shalt  }
0x6c: {  	_ =	shalt  }
0x6d: {  	_ =	shalt  }
0x6e: {  	_ =	shalt  }
0x6f: {  	_ =	shalt  }
0x70: {  	_ =	shalt  }
0x71: {  	_ =	shalt  }
0x72: {  	_ =	shalt  }
0x73: {  	_ =	shalt  }
0x74: {  	_ =	shalt  }
0x75: {  	_ =	shalt  }
0x76: {  	_ =	shalt  }
0x77: {  	_ =	shalt  }
0x78: {  	_ =	shalt  }
0x79: {  	_ =	shalt  }
0x7a: {  	_ =	shalt  }
0x7b: {  	_ =	shalt  }
0x7c: {  	_ =	shalt  }
0x7d: {  	_ =	shalt  }
0x7e: {  	_ =	shalt  }
0x7f: {  	_ =	shalt  }
0x80: {  	_ =	shalt  }
0x81: {  	_ =	shalt  }
0x82: {  	_ =	shalt  }
0x83: {  	_ =	shalt  }
0x84: {  	_ =	shalt  }
0x85: {  	_ =	shalt  }
0x86: {  	_ =	shalt  }
0x87: {  	_ =	shalt  }
.Lfunc_end0:
.L_simem_size_0:
called_computation.1_lowered:
.L_overlay_start_0:
0x88: {  	s0 =	sld [smem:$0x3FD9]  }
0x89: {  	s1 =	sld [smem:$0x3FFE];
	_ =	sdelay $0x3  }
0x8a: {  	s0 =	sadd.s32 s1, s0  }
0x8b: {  	[smem:$0x3FC5] =	sst s0  }
0x8c: {  	_ = 	snop  }
0x8d: {  	s0 =	sld [smem:$0x3FD0];
	(tm) =	ssettm $0x1  }
0x8e: {  	s16 =	sld [smem:$0x3FFB];
	_ =	sdelay $0x3  }
0x8f: {  	_ =	strace s16  }
0x90: {  	s1 =	sld [smem:$0x3FFC];
	_ =	sdelay $0x3  }
0x91: {  	_ =	strace s1  }
0x92: {  	s1 =	sld [smem:$0x3FFD];
	_ =	sdelay $0x3  }
0x93: {  	_ =	strace s1  }
0x94: {  	_ =	strace $0x8FFFFFFF  }
0x95: {  	s17 =	sld [smem:$0x3FDB];
	_ =	sdelay $0x1  }
0x96: {  	s2 =	simm.s32 $_scs_section_size  }
0x97: {  	s3 =	simm.s32 $_size__tile_overlayer_lowered;
	s4 =	simm.s32 $_tile_overlayer_lowered  }
0x98: {  	s20 =	simm.s32 $0x1BFF;
	s19 =	sshll.u32 s4, $0x1;
	s1 =	sadd.s32 s2, s17  }
0x99: {  	s5 =	simm.s32 $0x0;
	s18 =	sshll.u32 s3, $0x1;
	s3 =	sadd.s32 s19, s1  }
0x9a: {  	[timem:s5], [sflag:s20] =	dma.local [hbm:s3], s18  }
0x9b: {  	_ =	swait.ge [sflag:s20], s18  }
0x9c: {  	s2 =	ssub.s32 $0x0, s18;
	[sflag:s20] =	ssyncset.done $0x0  }
0x9d: {  	[sflag:s20] =	ssyncadd.s32 s2;
	_ =	sdelay $0x1  }
0x9e: {  	s21 =	simm.s32 $0x1B8B  }
0x9f: {  	_ =	swait.ge [sflag:s21], $0x1  }
0xa0: {  	[sflag:s21] =	ssyncset.done $0x0  }
0xa1: {  	s23 =	simm.s32 $0x1B8E;
	s22 =	sld [smem:$0x3FFE];
	[sflag:s21] =	ssyncadd.s32 $0xFFFFFFFF  }
0xa2: {  	s24 =	simm.s32 $execute0_lowered;
	[smem:$0x3FD2] =	sst s23  }
0xa3: {  	s3 =	sshll.u32 s24, $0x1;
	_ =	strace $0x80000049;
	[dreg:$0x1] =	wrdreg $0xFFFFFFFF  }
0xa4: {  	s25 =	simm.s32 $_size_execute0_lowered;
	s1 =	sadd.s32 s1, s3;
	[dreg:$0x0] =	wrdreg $0x0  }
0xa5: {  	s3 =	sshll.u32 s25, $0x1;
	[dreg:$0x2] =	wrdreg s1  }
0xa6: {  	[dreg:$0x3] =	wrdreg s3  }
0xa7: {  	[dreg:$0x4] =	wrdreg $0xC0  }
0xa8: {  	_ =	task [dreg:s5], $0x5FFFF  }
0xa9: {  	[dreg:$0x1] =	wrdreg $0xFFFFFFFF  }
0xaa: {  	[dreg:$0x0] =	wrdreg $0x60  }
0xab: {  	[dreg:$0x2] =	wrdreg s22  }
0xac: {  	[dreg:$0x3] =	wrdreg s0  }
0xad: {  	[dreg:$0x4] =	wrdreg $0xA  }
0xae: {  	_ =	task.clear_ibuf [dreg:s5], $0x5FFFF;
	_ =	strace $0x90000049  }
0xaf: {  	s26 =	simm.s32 $0xA;
	_ =	strace $0x8000004B  }
0xb0: {  	_ =	swait.ge [sflag:s26], $0x1  }
0xb1: {  	[sflag:s26] =	ssyncadd.s32 $0xFFFFFFFF  }
0xb2: {  	_ =	strace $0x9000004B  }
0xb3: {  	_ =	sfence  }
0xb4: {  	s28 =	sld [smem:$0x0];
	_ =	sdelay $0x1  }
0xb5: {  	s29 =	srdreg.scid  }
0xb6: {  	s30 =	sshll.u32 s29, $0xD;
	s31 =	sshrl.u32 s29, $0x2  }
0xb7: {  	s2 =	sand.u32 $0x4000, s30;
	s1 =	sand.u32 $0x1, s29;
	s0 =	sadd.s32 s31, s28  }
0xb8: {  	s1 =	sor.u32 s2, s1;
	s0 =	sshll.u32 s0, $0x11  }
0xb9: {  	s0 =	sor.u32 s0, s1  }
0xba: {  	s0 =	sadd.s32 $0x8F2B, s0  }
0xbb: {  	[sflag:s0] =	ssyncadd.remote.s32 $0x1  }
0xbc: {  	_ =	sfence.sel $0xFFFF  }
0xbd: {  	[dreg:$0x0] =	wrdreg $0xFFFFFFFF;
	(pc) =	sbr.abs _section_cstart, $3  }
0xbe: {  	[dreg:$0x1] =	wrdreg $0xFFFFFFFF  }
0xbf: {  	_ =	task.clear_ibuf [dreg:s5], $0x2FFFF;
	_ =	strace $0x9FFFFFFF  }
0xc0: {  	(tm) =	ssettm $0x7FFFFFFF  }
0xc1: {  	_ =	shalt  }
tec
execute0_lowered:
.L_overlay_start_1:
0x0: {  	(tag) =	ssettag $0x1  }
0x1: {  	s0 =	stileid.u32  }
0x2: {  	s1 =	smin.u32 s0, $0x9  }
0x3: {  	s1 =	sadd.s32 s0, s1  }
0x4: {  	s2 =	simm.s32 $0x190;
	p0 =	slt.u32 s0, $0x9;
	s1 =	smul.u32 $0xC8, s1  }
0x5: {  	s2 =	simm.s32 @!p0 $0xC8  }
0x6: {  	s2 =	sadd.s32 s2, s1  }
0x7: {  	s3 =	smin.u32 s2, $0x1388  }
0x8: {  	s7 =	ssub.s32 s3, s1  }
0x9: {  	p0 =	sgt.s32 s7, $0x0  }
0xa: {  	s7 =	simm.s32 @!p0 $0x0  }
0xb: {  	s31 =	sand.u32 $0xFFF8, s7  }
0xc: {  	s2 =	sshrl.u32 s31, $0x3  }
0xd: {  	s9 =	rddreg [dreg:$0x0];
	s2 =	smul.u32 $0x147B, s2  }
0xe: {  	s4 =	rddreg [dreg:$0x1];
	s6 =	simm.s32 $0x1  }
0xf: {  	s11 =	simm.s32 $0x3;
	s13 =	simm.s32 $0x0;
	s8 =	sshrl.u32 s2, $0x11  }
0x10: {  	s12 =	simm.s32 $0x0;
	s5 =	sadd.s32 $0x61C00, s9;
	s10 =	smul.u32 $0xC8, s8  }
.Ltmp0:
0x11: {  	s9 =	sadd.s32 $0xB0000, s9;
	s2 =	rddreg [dreg:$0x2];
	(pc) =	sbr.rel .LBB2_1-.Ltmp0, $4  }
0x12: {  	_ =	strace $0x8000004A;
	p0 =	sne.s32 s7, s10;
	s10 =	simm.s32 $0x1  }
0x13: {  	[sflag:s6] =	ssyncpa.u1 $0x0;
	s7 =	simm.s32 $0x2;
	s10 =	simm.s32 @!p0 $0x0  }
0x14: {  	[sflag:s7] =	ssyncpa.u1 $0x0;
	p0 =	por $0x0, $0x0;
	s8 =	sadd.s32 s8, s10  }
0x15: {  	vm0 =	vmmov $0xff;
	vm1 =	vcmask $0x3F20;
	[sflag:s11] =	ssyncpa.u1 $0x0;
	s11 =	smov.u32 s1;
	s10 =	sadd.s32 $0x1, s8  }
.LBB2_6:
0x16: {  	[hbm:s17] =	stream.linear.scatter [tilespmem:s14], [sflag:$0x3], $0x400, $0x38;
	[tilespmem:$0xC990] =	vst v63  }
.LBB2_7:
0x17: {  	s13 =	sadd.s32 $0xC8, s11  }
0x18: {  	s15 =	smov.u32 s1;
	p2 =	slt.s32 s13, s3  }
0x19: {  	s15 =	smov.u32 @p2 s13;
	p2 =	sne.s32 s12, s10  }
.Ltmp1:
0x1a: {  	p1 =	slt.u32 s12, $0x2;
	(pc) =	sbr.rel @!p2 .LBB2_8-.Ltmp1, $4  }
0x1b: {  	s14 =	simm.s32 @!p1 $0x3  }
0x1c: {  	s16 =	sadd.s32 $0x1, s12;
	_ =	swait.ge @!p1 [sflag:s14], $0x6400  }
0x1d: {  	p0 =	por !p0, !p0;
	s13 =	smov.u32 s11;
	[sflag:s14] =	ssyncset.done @!p1 $0x0  }
0x1e: {  	s12 =	smov.u32 s16;
	s11 =	smov.u32 s15;
	[sflag:s14] =	ssyncadd.s32 @!p1 $0xFFFF9C00  }
.LBB2_1:
0x1f: {  	p1 =	sge.u32 s12, s8  }
0x20: {  	s14 =	sxor.u32 @!p1 $0xFFFFFFFF, s12  }
0x21: {  	s14 =	sand.u32 @!p1 $0x1, s14  }
0x22: {  	s14 =	smul.u32 @!p1 $0x320, s14  }
0x23: {  	s31 =	sadd.s32 $0xFFFFFFFF, s12;
	s15 =	sshrl.u32 @!p1 s11, $0x3  }
0x24: {  	s16 =	sand.u32 @!p1 $0x7, s11;
	s15 =	sadd.s32 @!p1 s4, s15;
	s14 =	sshrl.u32 @!p1 s14, $0x2  }
0x25: {  	[tilespmem:s14], [sflag:$0x2] =	stream.linear.gather @!p1 [hbm4b:s15+s16], $0xC8, $0x38;
	[tilespmem:$0xC990] =	vst v63  }
0x26: {  	p1 =	sge.u32 s31, s8  }
.Ltmp2:
0x27: {  	_ = 	snop;
	(pc) =	sbr.rel @p1 .LBB2_7-.Ltmp2, $1  }
0x28: {  	_ =	sdelay $0x3  }
0x29: {  	s14 =	simm.s32 $0x1  }
0x2a: {  	s14 =	simm.s32 @!p0 $0x0  }
0x2b: {  	s15 =	smul.u32 $0x320, s14  }
0x2c: {  	_ =	swait.ge [sflag:s7], $0xC8  }
0x2d: {  	[sflag:s7] =	ssyncset.done $0x0;
	s16 =	sshrl.u32 s15, $0x2  }
0x2e: {  	[sflag:s7] =	ssyncadd.s32 $0xFFFFFF38;
	s15 =	sadd.s32 $0x0, s16  }
0x2f: {  	v0 =	vld.msk [tilespmem:s15+$0x0 ss:$0x1], $0xffff;
	_ =	sdelay $0x4  }
0x30: {  	vm2 =	vgt.s32 v0, $0x0  }
0x31: {  	v0 =	vnsel vm2, $0x0, v0  }
0x32: {  	v0 =	vmin.u32 v0, $0x4E1F  }
0x33: {  	v0 =	vshll.u32 v0, $0x4  }
0x34: {  	s14 =	smul.u32 $0x19000, s14  }
0x35: {  	s31 =	sand.u32 $0x1, s12  }
0x36: {  	s17 =	smul.u32 $0x320, s31;
	s14 =	sshrl.u32 s14, $0x2  }
0x37: {  	s19 =	smul.u32 $0x19000, s31;
	s14 =	sor.u32 $0x190, s14  }
0x38: {  	[tilespmem:s14], [sflag:$0x1] =	stream.indirect_vreg.gather [hbm:s5], $0x80, v0, vm0, $0x38;
	[tilespmem:$0xC990] =	vst v63  }
0x39: {  	s18 =	sshrl.u32 s17, $0x2;
	s20 =	sadd.s32 $0x10, s16;
	s15 =	sadd.s32 $0x400, s14  }
0x3a: {  	[tilespmem:s15], [sflag:$0x1] =	stream.indirect_vreg.gather [hbm:s5], $0x80, v0, vm1, $0x38;
	[tilespmem:$0xC990] =	vst v63  }
0x3b: {  	s17 =	sshrl.u32 s19, $0x2;
	s19 =	smov.u32 s14;
	v0 =	vld.msk [tilespmem:s20+$0x0 ss:$0x1], $0xffff;
	s20 =	simm.s32 $0x80  }
.LBB2_3:
0x3c: {  	p1 =	sne.s32 s20, $0x2C0;
	_ =	sdelay $0x4  }
0x3d: {  	vm2 =	vgt.s32 v0, $0x0  }
0x3e: {  	v0 =	vnsel vm2, $0x0, v0  }
0x3f: {  	v0 =	vmin.u32 v0, $0x4E1F  }
0x40: {  	v0 =	vshll.u32 v0, $0x4;
	_ =	sdelay $0x3  }
.Ltmp3:
0x41: {  	s21 =	sshra.s32 s20, $0x2;
	s19 =	sadd.s32 $0x800, s19;
	(pc) =	sbr.rel @p1 .LBB2_3-.Ltmp3, $4  }
0x42: {  	[tilespmem:s19], [sflag:$0x1] =	stream.indirect_vreg.gather [hbm:s5], $0x80, v0, vm0, $0x38;
	[tilespmem:$0xC990] =	vst v63  }
0x43: {  	s21 =	sadd.s32 s21, s16;
	s22 =	sadd.s32 $0x400, s19  }
0x44: {  	[tilespmem:s22], [sflag:$0x1] =	stream.indirect_vreg.gather [hbm:s5], $0x80, v0, vm1, $0x38;
	[tilespmem:$0xC990] =	vst v63  }
0x45: {  	s20 =	sadd.s32 $0x40, s20;
	v0 =	vld.msk [tilespmem:s21+$0x0 ss:$0x1], $0xffff  }
0x46: {  	_ =	sdelay $0x3  }
0x47: {  	vm2 =	vgt.s32 v0, $0x0  }
0x48: {  	v0 =	vnsel vm2, $0x0, v0  }
0x49: {  	v0 =	vmin.u32 v0, $0x4E1F  }
0x4a: {  	v0 =	vshll.u32 v0, $0x4;
	_ =	sdelay $0x3  }
0x4b: {  	s16 =	sadd.s32 $0x800, s19  }
0x4c: {  	[tilespmem:s16], [sflag:$0x1] =	stream.indirect_vreg.gather [hbm:s5], $0x80, v0, vm0, $0x38;
	[tilespmem:$0xC990] =	vst v63  }
0x4d: {  	s16 =	sadd.s32 $0x400, s16  }
0x4e: {  	[tilespmem:s16], [sflag:$0x1] =	stream.indirect_vreg.gather [hbm:s5], $0x80, v0, vm1, $0x38;
	[tilespmem:$0xC990] =	vst v63  }
0x4f: {  	v0 =	vld.msk [tilespmem:s18+$0xC0 ss:$0x1], $0xff;
	_ =	sdelay $0x4  }
0x50: {  	vm2 =	vgt.s32 v0, $0x0  }
0x51: {  	v0 =	vnsel vm2, $0x0, v0  }
0x52: {  	v0 =	vmin.u32 v0, $0x4E1F  }
0x53: {  	v0 =	vshll.u32 v0, $0x4;
	_ =	sdelay $0x3  }
0x54: {  	s31 =	sadd.s32 $0x6190, s17  }
0x55: {  	[tilespmem:s31], [sflag:$0x1] =	stream.indirect_vreg.gather [hbm:s5], $0x80, v0, vm0, $0x38;
	[tilespmem:$0xC990] =	vst v63  }
0x56: {  	s13 =	sshll.u32 s13, $0x4;
	_ =	swait.ge [sflag:s6], $0x6400  }
0x57: {  	s13 =	sadd.s32 s13, s9;
	[sflag:s6] =	ssyncset.done $0x0  }
0x58: {  	s17 =	sadd.s32 $0x0, s13;
	s16 =	simm.s32 $0x80;
	[sflag:s6] =	ssyncadd.s32 $0xFFFF9C00  }
.LBB2_5:
0x59: {  	[hbm:s17] =	stream.linear.scatter [tilespmem:s14], [sflag:$0x3], $0x400, $0x38;
	[tilespmem:$0xC990] =	vst v63  }
0x5a: {  	s17 =	smov.u32 s16;
	s14 =	smov.u32 s15;
	p1 =	sne.s32 s16, $0xC00  }
.Ltmp4:
0x5b: {  	s16 =	sadd.s32 $0x80, s16;
	(pc) =	sbr.rel @p1 .LBB2_5-.Ltmp4, $2  }
0x5c: {  	_ =	sdelay $0x2  }
0x5d: {  	s15 =	sadd.s32 $0x400, s15;
	s17 =	sadd.s32 s17, s13  }
.Ltmp5:
0x5e: {  	_ = 	snop;
	(pc) =	sbr.rel .LBB2_6-.Ltmp5, $1  }
0x5f: {  	_ =	sdelay $0x3  }
.LBB2_8:
0x60: {  	_ =	sfence.sel $0x180000  }
0x61: {  	s1 =	simm.s32 $0x2;
	[bflag:$0x0] =	sbarrier.arrive $0xFFFF  }
0x62: {  	s30 =	simm.s32 $0x3;
	[sflag:s1] =	ssyncpa.u1 $0x1  }
0x63: {  	s31 =	simm.s32 $0x1;
	[sflag:s30] =	ssyncpa.u1 $0x1  }
0x64: {  	[sflag:s31] =	ssyncpa.u1 $0x1  }
0x65: {  	p0 =	sne.s32 s0, $0x0;
	_ =	strace $0x9000004A  }
0x66: {  	s0 =	sadd.s32 @!p0 $0x100000, s2;
	[bflag:$0x2] =	sbarrier.arrive $0xFFFF  }
0x67: {  	[sflag:s0] =	ssyncadd.tile.s32 @!p0 $0x1;
	_ =	shalt  }
.Lfunc_end2:
_tile_overlayer_lowered:
.L_overlay_start_2:
0x68: {  	(tag) =	ssettag $0x2  }
0x69: {  	s0 =	rddreg [dreg:$0x0];
	s2 =	stileid.u32  }
0x6a: {  	s1 =	rddreg [dreg:$0x1];
	p0 =	sne.s32 s2, $0x0  }
0x6b: {  	s3 =	rddreg [dreg:$0x2];
	[bflag:$0x3] =	sbarrier.arrive $0xFFFF;
	s2 =	simm.s32 @!p0 $0x1C01  }
0x6c: {  	[timem:s3], [sflag:s2] =	dma.local @!p0 [hbm:s0], s1  }
0x6d: {  	s0 =	simm.s32 @!p0 $0x1  }
0x6e: {  	_ =	swait.ge @!p0 [sflag:s0], s1  }
0x6f: {  	s1 =	ssub.s32 @!p0 $0x0, s1;
	[sflag:s0] =	ssyncset.done @!p0 $0x0  }
0x70: {  	[sflag:s0] =	ssyncadd.s32 @!p0 s1  }
0x71: {  	[bflag:$0x3] =	sbarrier.arrive $0xFFFF  }
0x72: {  	_ =	shalt  }

// kernel: gather_offload_async_start.2
scs
__scs_entry_jumppad:
0x0: {  	(pc) =	sbr.rel $0x88, $3  }
0x1: {  	(tag) =	ssettag $0x0;
	lr =	simm.s32 $0x1  }
0x2: {  	[smem:$0x3F9E] =	sst lr;
	_ =	strace $0xD0000000  }
0x3: {  	_ = 	snop  }
0x4: {  	_ = 	snop  }
0x5: {  	_ = 	snop  }
0x6: {  	_ = 	snop  }
0x7: {  	_ = 	snop  }
__scs_overlays_trampoline_lowered:
0x8: {  	[smem:$0x3FAD] =	sst s0  }
0x9: {  	[smem:$0x3FAE] =	sst s1  }
0xa: {  	[smem:$0x3FAF] =	sst s2  }
0xb: {  	[smem:$0x3FB0] =	sst s3  }
0xc: {  	[smem:$0x3FB1] =	sst s4  }
0xd: {  	[smem:$0x3FB2] =	sst s5  }
0xe: {  	[smem:$0x3FB3] =	sst s6  }
0xf: {  	[smem:$0x3FB4] =	sst s7  }
0x10: {  	[smem:$0x3FB5] =	sst s8  }
0x11: {  	[smem:$0x3FB6] =	sst s9;
	s0 =	simm.s32 @!p0 $0x0  }
0x12: {  	s1 =	sld [smem:$0x3F9C];
	s0 =	simm.s32 @p0 $0x1  }
0x13: {  	[smem:$0x3FB7] =	sst s0;
	s0 =	simm.s32 @!p1 $0x0  }
0x14: {  	s2 =	sld [smem:$0x3F9B];
	s0 =	simm.s32 @p1 $0x1  }
0x15: {  	[smem:$0x3FB8] =	sst s0;
	s0 =	simm.s32 @!p2 $0x0  }
0x16: {  	s3 =	sld [smem:$0x3FDB];
	s0 =	simm.s32 @p2 $0x1  }
0x17: {  	s4 =	simm.s32 $0x1BF5;
	[smem:$0x3FBA] =	sst s0  }
0x18: {  	s0 =	sld [smem:$0x3F9D];
	_ =	swait.ge [sflag:s4], $0x0  }
0x19: {  	s7 =	sld [smem:$0x3F9E]  }
0x1a: {  	s8 =	sadd.s32 $0xFFFFE003, lr  }
0x1b: {  	s9 =	sadd.s32 $0xFFFFFEF7, lr;
	s5 =	simm.s32 $0xFFFFFFFF;
	p2 =	slt.u32 s8, $0xFFFFF086  }
0x1c: {  	p1 =	slt.u32 s9, $0xF7A;
	s5 =	simm.s32 @!p2 $0x0  }
0x1d: {  	s5 =	simm.s32 @p1 $0x1;
	p0 =	seq.s32 s7, s2  }
0x1e: {  	s7 =	smul.u32 @!p0 $0xF7A, s2;
	p2 =	seq.s32 @!p0 s5, $0x0  }
0x1f: {  	s9 =	smul.u32 $0xF7A, s1;
	s8 =	simm.s32 @!p0 $0x1BF5;
	p2 =	por !p2, p0  }
0x20: {  	[sflag:s8] =	ssyncset.s32 @!p0 $0xFFFFF086;
	s6 =	sadd.s32 @!p0 s3, s7;
	s7 =	simm.s32 @!p0 $0x108  }
0x21: {  	s3 =	sadd.s32 s3, s9;
	s6 =	sadd.s32 @!p0 $0x88, s6;
	s7 =	simm.s32 @p2 $0x1082  }
0x22: {  	[simem:s7], [sflag:s8] =	dma.local @!p0 [hbm:s6], $0xF7A  }
0x23: {  	s9 =	sor.u32 $0xD0000000, s2;
	s6 =	simm.s32 $0x108;
	_ =	swait.ge @!p0 [sflag:s8], $0x0  }
0x24: {  	s3 =	sadd.s32 $0x88, s3;
	s6 =	simm.s32 @!p1 $0x1082;
	[sflag:s4] =	ssyncset.s32 $0xFFFFF086  }
0x25: {  	[simem:s6], [sflag:s4] =	dma.local [hbm:s3], $0xF7A  }
0x26: {  	[smem:$0x3F9E] =	sst s1;
	(tag) =	ssettag s2;
	_ =	strace s9  }
0x27: {  	s1 =	sld [smem:$0x3FAE]  }
0x28: {  	s2 =	sld [smem:$0x3FAF]  }
0x29: {  	s4 =	sld [smem:$0x3FB1]  }
0x2a: {  	p0 =	seq.s32 s5, $0x0;
	s5 =	sld [smem:$0x3FB2]  }
0x2b: {  	s6 =	sld [smem:$0x3FB3]  }
0x2c: {  	s7 =	sld [smem:$0x3FB4]  }
0x2d: {  	s3 =	simm.s32 $0x108;
	s8 =	sld [smem:$0x3FB5]  }
0x2e: {  	s3 =	simm.s32 @!p0 $0x1082;
	s9 =	sld [smem:$0x3FB6]  }
0x2f: {  	lr =	sadd.s32 s0, s3;
	s0 =	sld [smem:$0x3FAD]  }
0x30: {  	s3 =	sld [smem:$0x3FB0]  }
0x31: {  	[smem:$0x3FB9] =	sst s10  }
0x32: {  	s10 =	sld [smem:$0x3FB7];
	_ =	sdelay $0x3  }
0x33: {  	p0 =	seq.s32 s10, $0x1;
	s10 =	sld [smem:$0x3FB9];
	_ =	sdelay $0x3  }
0x34: {  	[smem:$0x3FB9] =	sst s10  }
0x35: {  	s10 =	sld [smem:$0x3FB8];
	_ =	sdelay $0x3  }
0x36: {  	p1 =	seq.s32 s10, $0x1;
	s10 =	sld [smem:$0x3FB9];
	_ =	sdelay $0x3  }
0x37: {  	[smem:$0x3FB9] =	sst s10  }
0x38: {  	s10 =	sld [smem:$0x3FBA]  }
0x39: {  	_ = 	snop;
	(pc) =	sbr.ind lr, $3  }
0x3a: {  	_ = 	snop  }
0x3b: {  	_ = 	snop  }
0x3c: {  	p2 =	seq.s32 s10, $0x1;
	s10 =	sld [smem:$0x3FB9]  }
0x3d: {  	_ =	shalt  }
0x3e: {  	_ =	shalt  }
0x3f: {  	_ =	shalt  }
0x40: {  	_ =	shalt  }
0x41: {  	_ =	shalt  }
0x42: {  	_ =	shalt  }
0x43: {  	_ =	shalt  }
0x44: {  	_ =	shalt  }
0x45: {  	_ =	shalt  }
0x46: {  	_ =	shalt  }
0x47: {  	_ =	shalt  }
0x48: {  	_ =	shalt  }
0x49: {  	_ =	shalt  }
0x4a: {  	_ =	shalt  }
0x4b: {  	_ =	shalt  }
0x4c: {  	_ =	shalt  }
0x4d: {  	_ =	shalt  }
0x4e: {  	_ =	shalt  }
0x4f: {  	_ =	shalt  }
0x50: {  	_ =	shalt  }
0x51: {  	_ =	shalt  }
0x52: {  	_ =	shalt  }
0x53: {  	_ =	shalt  }
0x54: {  	_ =	shalt  }
0x55: {  	_ =	shalt  }
0x56: {  	_ =	shalt  }
0x57: {  	_ =	shalt  }
0x58: {  	_ =	shalt  }
0x59: {  	_ =	shalt  }
0x5a: {  	_ =	shalt  }
0x5b: {  	_ =	shalt  }
0x5c: {  	_ =	shalt  }
0x5d: {  	_ =	shalt  }
0x5e: {  	_ =	shalt  }
0x5f: {  	_ =	shalt  }
0x60: {  	_ =	shalt  }
0x61: {  	_ =	shalt  }
0x62: {  	_ =	shalt  }
0x63: {  	_ =	shalt  }
0x64: {  	_ =	shalt  }
0x65: {  	_ =	shalt  }
0x66: {  	_ =	shalt  }
0x67: {  	_ =	shalt  }
0x68: {  	_ =	shalt  }
0x69: {  	_ =	shalt  }
0x6a: {  	_ =	shalt  }
0x6b: {  	_ =	shalt  }
0x6c: {  	_ =	shalt  }
0x6d: {  	_ =	shalt  }
0x6e: {  	_ =	shalt  }
0x6f: {  	_ =	shalt  }
0x70: {  	_ =	shalt  }
0x71: {  	_ =	shalt  }
0x72: {  	_ =	shalt  }
0x73: {  	_ =	shalt  }
0x74: {  	_ =	shalt  }
0x75: {  	_ =	shalt  }
0x76: {  	_ =	shalt  }
0x77: {  	_ =	shalt  }
0x78: {  	_ =	shalt  }
0x79: {  	_ =	shalt  }
0x7a: {  	_ =	shalt  }
0x7b: {  	_ =	shalt  }
0x7c: {  	_ =	shalt  }
0x7d: {  	_ =	shalt  }
0x7e: {  	_ =	shalt  }
0x7f: {  	_ =	shalt  }
0x80: {  	_ =	shalt  }
0x81: {  	_ =	shalt  }
0x82: {  	_ =	shalt  }
0x83: {  	_ =	shalt  }
0x84: {  	_ =	shalt  }
0x85: {  	_ =	shalt  }
0x86: {  	_ =	shalt  }
0x87: {  	_ =	shalt  }
.Lfunc_end0:
.L_simem_size_0:
called_computation.2_lowered:
.L_overlay_start_0:
0x88: {  	s0 =	sld [smem:$0x3FD9]  }
0x89: {  	s1 =	sld [smem:$0x3FFE];
	_ =	sdelay $0x3  }
0x8a: {  	s0 =	sadd.s32 s1, s0  }
0x8b: {  	[smem:$0x3FC5] =	sst s0  }
0x8c: {  	_ = 	snop  }
0x8d: {  	s0 =	sld [smem:$0x3FD0];
	(tm) =	ssettm $0x1  }
0x8e: {  	s16 =	sld [smem:$0x3FFB];
	_ =	sdelay $0x3  }
0x8f: {  	_ =	strace s16  }
0x90: {  	s1 =	sld [smem:$0x3FFC];
	_ =	sdelay $0x3  }
0x91: {  	_ =	strace s1  }
0x92: {  	s1 =	sld [smem:$0x3FFD];
	_ =	sdelay $0x3  }
0x93: {  	_ =	strace s1  }
0x94: {  	_ =	strace $0x8FFFFFFF  }
0x95: {  	s17 =	sld [smem:$0x3FDB];
	_ =	sdelay $0x1  }
0x96: {  	s2 =	simm.s32 $_scs_section_size  }
0x97: {  	s3 =	simm.s32 $_size__tile_overlayer_lowered;
	s4 =	simm.s32 $_tile_overlayer_lowered  }
0x98: {  	s20 =	simm.s32 $0x1BFF;
	s19 =	sshll.u32 s4, $0x1;
	s1 =	sadd.s32 s2, s17  }
0x99: {  	s5 =	simm.s32 $0x0;
	s18 =	sshll.u32 s3, $0x1;
	s3 =	sadd.s32 s19, s1  }
0x9a: {  	[timem:s5], [sflag:s20] =	dma.local [hbm:s3], s18  }
0x9b: {  	_ =	swait.ge [sflag:s20], s18  }
0x9c: {  	s2 =	ssub.s32 $0x0, s18;
	[sflag:s20] =	ssyncset.done $0x0  }
0x9d: {  	[sflag:s20] =	ssyncadd.s32 s2;
	_ =	sdelay $0x1  }
0x9e: {  	s21 =	simm.s32 $0x1B8B  }
0x9f: {  	_ =	swait.ge [sflag:s21], $0x1  }
0xa0: {  	[sflag:s21] =	ssyncset.done $0x0  }
0xa1: {  	s23 =	simm.s32 $0x1B8E;
	s22 =	sld [smem:$0x3FFE];
	[sflag:s21] =	ssyncadd.s32 $0xFFFFFFFF  }
0xa2: {  	s24 =	simm.s32 $execute0_lowered;
	[smem:$0x3FD2] =	sst s23  }
0xa3: {  	s3 =	sshll.u32 s24, $0x1;
	_ =	strace $0x8000004C;
	[dreg:$0x1] =	wrdreg $0xFFFFFFFF  }
0xa4: {  	s25 =	simm.s32 $_size_execute0_lowered;
	s1 =	sadd.s32 s1, s3;
	[dreg:$0x0] =	wrdreg $0x0  }
0xa5: {  	s3 =	sshll.u32 s25, $0x1;
	[dreg:$0x2] =	wrdreg s1  }
0xa6: {  	[dreg:$0x3] =	wrdreg s3  }
0xa7: {  	[dreg:$0x4] =	wrdreg $0xC0  }
0xa8: {  	_ =	task [dreg:s5], $0x5FFFF  }
0xa9: {  	[dreg:$0x1] =	wrdreg $0xFFFFFFFF  }
0xaa: {  	[dreg:$0x0] =	wrdreg $0x60  }
0xab: {  	[dreg:$0x2] =	wrdreg s22  }
0xac: {  	[dreg:$0x3] =	wrdreg s0  }
0xad: {  	[dreg:$0x4] =	wrdreg $0x9  }
0xae: {  	_ =	task.clear_ibuf [dreg:s5], $0x5FFFF;
	_ =	strace $0x9000004C  }
0xaf: {  	s26 =	simm.s32 $0x9;
	_ =	strace $0x8000004E  }
0xb0: {  	_ =	swait.ge [sflag:s26], $0x1  }
0xb1: {  	[sflag:s26] =	ssyncadd.s32 $0xFFFFFFFF  }
0xb2: {  	_ =	strace $0x9000004E  }
0xb3: {  	_ =	sfence  }
0xb4: {  	s28 =	sld [smem:$0x0];
	_ =	sdelay $0x1  }
0xb5: {  	s29 =	srdreg.scid  }
0xb6: {  	s30 =	sshll.u32 s29, $0xD;
	s31 =	sshrl.u32 s29, $0x2  }
0xb7: {  	s2 =	sand.u32 $0x4000, s30;
	s1 =	sand.u32 $0x1, s29;
	s0 =	sadd.s32 s31, s28  }
0xb8: {  	s1 =	sor.u32 s2, s1;
	s0 =	sshll.u32 s0, $0x11  }
0xb9: {  	s0 =	sor.u32 s0, s1  }
0xba: {  	s0 =	sadd.s32 $0x8F2B, s0  }
0xbb: {  	[sflag:s0] =	ssyncadd.remote.s32 $0x1  }
0xbc: {  	_ =	sfence.sel $0xFFFF  }
0xbd: {  	[dreg:$0x0] =	wrdreg $0xFFFFFFFF;
	(pc) =	sbr.abs _section_cstart, $3  }
0xbe: {  	[dreg:$0x1] =	wrdreg $0xFFFFFFFF  }
0xbf: {  	_ =	task.clear_ibuf [dreg:s5], $0x2FFFF;
	_ =	strace $0x9FFFFFFF  }
0xc0: {  	(tm) =	ssettm $0x7FFFFFFF  }
0xc1: {  	_ =	shalt  }
tec
execute0_lowered:
.L_overlay_start_1:
0x0: {  	(tag) =	ssettag $0x1  }
0x1: {  	s0 =	stileid.u32  }
0x2: {  	s1 =	smin.u32 s0, $0x9  }
0x3: {  	s1 =	sadd.s32 s0, s1  }
0x4: {  	s2 =	simm.s32 $0xA0;
	p0 =	slt.u32 s0, $0x9;
	s1 =	smul.u32 $0x50, s1  }
0x5: {  	s2 =	simm.s32 @!p0 $0x50  }
0x6: {  	s2 =	sadd.s32 s2, s1  }
0x7: {  	s3 =	smin.u32 s2, $0x7D0  }
0x8: {  	s7 =	ssub.s32 s3, s1  }
0x9: {  	p0 =	sgt.s32 s7, $0x0  }
0xa: {  	s7 =	simm.s32 @!p0 $0x0  }
0xb: {  	s4 =	rddreg [dreg:$0x0];
	s31 =	smul.u32 $0xCCCD, s7  }
0xc: {  	s5 =	rddreg [dreg:$0x1]  }
0xd: {  	s6 =	simm.s32 $0x1;
	s10 =	simm.s32 $0x3;
	s8 =	sshrl.u32 s31, $0x16  }
0xe: {  	s13 =	simm.s32 $0x0;
	s12 =	simm.s32 $0x0;
	s9 =	smul.u32 $0x50, s8  }
.Ltmp0:
0xf: {  	s11 =	smov.u32 s1;
	s2 =	rddreg [dreg:$0x2];
	(pc) =	sbr.rel .LBB2_1-.Ltmp0, $4  }
0x10: {  	_ =	strace $0x8000004D;
	p0 =	sne.s32 s7, s9;
	s9 =	simm.s32 $0x1  }
0x11: {  	[sflag:s6] =	ssyncpa.u1 $0x0;
	s7 =	simm.s32 $0x2;
	s9 =	simm.s32 @!p0 $0x0  }
0x12: {  	[sflag:s7] =	ssyncpa.u1 $0x0;
	p0 =	por $0x0, $0x0;
	s8 =	sadd.s32 s8, s9  }
0x13: {  	vm0 =	vmmov $0xff;
	vm1 =	vcmask $0x3F20;
	s9 =	sadd.s32 $0x13A00, s4;
	[sflag:s10] =	ssyncpa.u1 $0x0;
	s10 =	sadd.s32 $0x1, s8  }
.LBB2_6:
0x14: {  	[hbm:s17] =	stream.linear.scatter [tilespmem:s14], [sflag:$0x3], $0x400, $0x38;
	[tilespmem:$0x50A0] =	vst v63  }
.LBB2_7:
0x15: {  	s13 =	sadd.s32 $0x50, s11  }
0x16: {  	s15 =	smov.u32 s1;
	p2 =	slt.s32 s13, s3  }
0x17: {  	s15 =	smov.u32 @p2 s13;
	p2 =	sne.s32 s12, s10  }
.Ltmp1:
0x18: {  	p1 =	slt.u32 s12, $0x2;
	(pc) =	sbr.rel @!p2 .LBB2_8-.Ltmp1, $4  }
0x19: {  	s14 =	simm.s32 @!p1 $0x3  }
0x1a: {  	s16 =	sadd.s32 $0x1, s12;
	_ =	swait.ge @!p1 [sflag:s14], $0x2800  }
0x1b: {  	p0 =	por !p0, !p0;
	s13 =	smov.u32 s11;
	[sflag:s14] =	ssyncset.done @!p1 $0x0  }
0x1c: {  	s12 =	smov.u32 s16;
	s11 =	smov.u32 s15;
	[sflag:s14] =	ssyncadd.s32 @!p1 $0xFFFFD800  }
.LBB2_1:
0x1d: {  	p1 =	sge.u32 s12, s8  }
0x1e: {  	s14 =	sxor.u32 @!p1 $0xFFFFFFFF, s12  }
0x1f: {  	s14 =	sand.u32 @!p1 $0x1, s14  }
0x20: {  	s14 =	smul.u32 @!p1 $0x140, s14  }
0x21: {  	s31 =	sadd.s32 $0xFFFFFFFF, s12;
	s15 =	sshrl.u32 @!p1 s11, $0x3  }
0x22: {  	s16 =	sand.u32 @!p1 $0x7, s11;
	s15 =	sadd.s32 @!p1 s5, s15;
	s14 =	sshrl.u32 @!p1 s14, $0x2  }
0x23: {  	[tilespmem:s14], [sflag:$0x2] =	stream.linear.gather @!p1 [hbm4b:s15+s16], $0x50, $0x38;
	[tilespmem:$0x50A0] =	vst v63  }
0x24: {  	p1 =	sge.u32 s31, s8  }
.Ltmp2:
0x25: {  	_ = 	snop;
	(pc) =	sbr.rel @p1 .LBB2_7-.Ltmp2, $1  }
0x26: {  	_ =	sdelay $0x3  }
0x27: {  	s14 =	simm.s32 $0x1  }
0x28: {  	s14 =	simm.s32 @!p0 $0x0  }
0x29: {  	s15 =	smul.u32 $0x140, s14  }
0x2a: {  	_ =	swait.ge [sflag:s7], $0x50  }
0x2b: {  	[sflag:s7] =	ssyncset.done $0x0;
	s16 =	sshrl.u32 s15, $0x2  }
0x2c: {  	[sflag:s7] =	ssyncadd.s32 $0xFFFFFFB0;
	s15 =	sadd.s32 $0x0, s16  }
0x2d: {  	v0 =	vld.msk [tilespmem:s15+$0x0 ss:$0x1], $0xffff;
	_ =	sdelay $0x4  }
0x2e: {  	vm2 =	vgt.s32 v0, $0x0  }
0x2f: {  	v0 =	vnsel vm2, $0x0, v0  }
0x30: {  	v0 =	vmin.u32 v0, $0x1387  }
0x31: {  	v0 =	vshll.u32 v0, $0x4  }
0x32: {  	s14 =	smul.u32 $0xA000, s14;
	_ =	sdelay $0x1  }
0x33: {  	s14 =	sshrl.u32 s14, $0x2  }
0x34: {  	s14 =	sor.u32 $0xA0, s14  }
0x35: {  	[tilespmem:s14], [sflag:$0x1] =	stream.indirect_vreg.gather [hbm:s4], $0x80, v0, vm0, $0x38;
	[tilespmem:$0x50A0] =	vst v63  }
0x36: {  	s17 =	sadd.s32 $0x10, s16;
	s15 =	sadd.s32 $0x400, s14  }
0x37: {  	[tilespmem:s15], [sflag:$0x1] =	stream.indirect_vreg.gather [hbm:s4], $0x80, v0, vm1, $0x38;
	[tilespmem:$0x50A0] =	vst v63  }
0x38: {  	s18 =	simm.s32 $0x80;
	v0 =	vld.msk [tilespmem:s17+$0x0 ss:$0x1], $0xffff;
	s17 =	smov.u32 s14  }
.LBB2_3:
0x39: {  	p1 =	sne.s32 s18, $0x100;
	_ =	sdelay $0x4  }
0x3a: {  	vm2 =	vgt.s32 v0, $0x0  }
0x3b: {  	v0 =	vnsel vm2, $0x0, v0  }
0x3c: {  	v0 =	vmin.u32 v0, $0x1387  }
0x3d: {  	v0 =	vshll.u32 v0, $0x4;
	_ =	sdelay $0x3  }
.Ltmp3:
0x3e: {  	s19 =	sshra.s32 s18, $0x2;
	s17 =	sadd.s32 $0x800, s17;
	(pc) =	sbr.rel @p1 .LBB2_3-.Ltmp3, $4  }
0x3f: {  	[tilespmem:s17], [sflag:$0x1] =	stream.indirect_vreg.gather [hbm:s4], $0x80, v0, vm0, $0x38;
	[tilespmem:$0x50A0] =	vst v63  }
0x40: {  	s19 =	sadd.s32 s19, s16;
	s20 =	sadd.s32 $0x400, s17  }
0x41: {  	[tilespmem:s20], [sflag:$0x1] =	stream.indirect_vreg.gather [hbm:s4], $0x80, v0, vm1, $0x38;
	[tilespmem:$0x50A0] =	vst v63  }
0x42: {  	s18 =	sadd.s32 $0x40, s18;
	v0 =	vld.msk [tilespmem:s19+$0x0 ss:$0x1], $0xffff  }
0x43: {  	_ =	sdelay $0x3  }
0x44: {  	vm2 =	vgt.s32 v0, $0x0  }
0x45: {  	v0 =	vnsel vm2, $0x0, v0  }
0x46: {  	v0 =	vmin.u32 v0, $0x1387  }
0x47: {  	v0 =	vshll.u32 v0, $0x4;
	_ =	sdelay $0x3  }
0x48: {  	s16 =	sadd.s32 $0x800, s17  }
0x49: {  	[tilespmem:s16], [sflag:$0x1] =	stream.indirect_vreg.gather [hbm:s4], $0x80, v0, vm0, $0x38;
	[tilespmem:$0x50A0] =	vst v63  }
0x4a: {  	s16 =	sadd.s32 $0x400, s16  }
0x4b: {  	[tilespmem:s16], [sflag:$0x1] =	stream.indirect_vreg.gather [hbm:s4], $0x80, v0, vm1, $0x38;
	[tilespmem:$0x50A0] =	vst v63  }
0x4c: {  	s13 =	sshll.u32 s13, $0x4;
	_ =	swait.ge [sflag:s6], $0x2800  }
0x4d: {  	s13 =	sadd.s32 s13, s9;
	[sflag:s6] =	ssyncset.done $0x0  }
0x4e: {  	s17 =	sadd.s32 $0x0, s13;
	s16 =	simm.s32 $0x80;
	[sflag:s6] =	ssyncadd.s32 $0xFFFFD800  }
.LBB2_5:
0x4f: {  	[hbm:s17] =	stream.linear.scatter [tilespmem:s14], [sflag:$0x3], $0x400, $0x38;
	[tilespmem:$0x50A0] =	vst v63  }
0x50: {  	s17 =	smov.u32 s16;
	s14 =	smov.u32 s15;
	p1 =	sne.s32 s16, $0x480  }
.Ltmp4:
0x51: {  	s16 =	sadd.s32 $0x80, s16;
	(pc) =	sbr.rel @p1 .LBB2_5-.Ltmp4, $2  }
0x52: {  	_ =	sdelay $0x2  }
0x53: {  	s15 =	sadd.s32 $0x400, s15;
	s17 =	sadd.s32 s17, s13  }
.Ltmp5:
0x54: {  	_ = 	snop;
	(pc) =	sbr.rel .LBB2_6-.Ltmp5, $1  }
0x55: {  	_ =	sdelay $0x3  }
.LBB2_8:
0x56: {  	_ =	sfence.sel $0x180000  }
0x57: {  	s1 =	simm.s32 $0x2;
	[bflag:$0x0] =	sbarrier.arrive $0xFFFF  }
0x58: {  	s30 =	simm.s32 $0x3;
	[sflag:s1] =	ssyncpa.u1 $0x1  }
0x59: {  	s31 =	simm.s32 $0x1;
	[sflag:s30] =	ssyncpa.u1 $0x1  }
0x5a: {  	[sflag:s31] =	ssyncpa.u1 $0x1  }
0x5b: {  	p0 =	sne.s32 s0, $0x0;
	_ =	strace $0x9000004D  }
0x5c: {  	s0 =	sadd.s32 @!p0 $0x100000, s2;
	[bflag:$0x2] =	sbarrier.arrive $0xFFFF  }
0x5d: {  	[sflag:s0] =	ssyncadd.tile.s32 @!p0 $0x1;
	_ =	shalt  }
.Lfunc_end2:
_tile_overlayer_lowered:
.L_overlay_start_2:
0x5e: {  	(tag) =	ssettag $0x2  }
0x5f: {  	s0 =	rddreg [dreg:$0x0];
	s2 =	stileid.u32  }
0x60: {  	s1 =	rddreg [dreg:$0x1];
	p0 =	sne.s32 s2, $0x0  }
0x61: {  	s3 =	rddreg [dreg:$0x2];
	[bflag:$0x3] =	sbarrier.arrive $0xFFFF;
	s2 =	simm.s32 @!p0 $0x1C01  }
0x62: {  	[timem:s3], [sflag:s2] =	dma.local @!p0 [hbm:s0], s1  }
0x63: {  	s0 =	simm.s32 @!p0 $0x1  }
0x64: {  	_ =	swait.ge @!p0 [sflag:s0], s1  }
0x65: {  	s1 =	ssub.s32 @!p0 $0x0, s1;
	[sflag:s0] =	ssyncset.done @!p0 $0x0  }
0x66: {  	[sflag:s0] =	ssyncadd.s32 @!p0 s1  }
0x67: {  	[bflag:$0x3] =	sbarrier.arrive $0xFFFF  }
0x68: {  	_ =	shalt  }

// kernel: gather_offload_async_start
scs
__scs_entry_jumppad:
0x0: {  	(pc) =	sbr.rel $0x88, $3  }
0x1: {  	(tag) =	ssettag $0x0;
	lr =	simm.s32 $0x1  }
0x2: {  	[smem:$0x3F9E] =	sst lr;
	_ =	strace $0xD0000000  }
0x3: {  	_ = 	snop  }
0x4: {  	_ = 	snop  }
0x5: {  	_ = 	snop  }
0x6: {  	_ = 	snop  }
0x7: {  	_ = 	snop  }
__scs_overlays_trampoline_lowered:
0x8: {  	[smem:$0x3FAD] =	sst s0  }
0x9: {  	[smem:$0x3FAE] =	sst s1  }
0xa: {  	[smem:$0x3FAF] =	sst s2  }
0xb: {  	[smem:$0x3FB0] =	sst s3  }
0xc: {  	[smem:$0x3FB1] =	sst s4  }
0xd: {  	[smem:$0x3FB2] =	sst s5  }
0xe: {  	[smem:$0x3FB3] =	sst s6  }
0xf: {  	[smem:$0x3FB4] =	sst s7  }
0x10: {  	[smem:$0x3FB5] =	sst s8  }
0x11: {  	[smem:$0x3FB6] =	sst s9;
	s0 =	simm.s32 @!p0 $0x0  }
0x12: {  	s1 =	sld [smem:$0x3F9C];
	s0 =	simm.s32 @p0 $0x1  }
0x13: {  	[smem:$0x3FB7] =	sst s0;
	s0 =	simm.s32 @!p1 $0x0  }
0x14: {  	s2 =	sld [smem:$0x3F9B];
	s0 =	simm.s32 @p1 $0x1  }
0x15: {  	[smem:$0x3FB8] =	sst s0;
	s0 =	simm.s32 @!p2 $0x0  }
0x16: {  	s3 =	sld [smem:$0x3FDB];
	s0 =	simm.s32 @p2 $0x1  }
0x17: {  	s4 =	simm.s32 $0x1BF5;
	[smem:$0x3FBA] =	sst s0  }
0x18: {  	s0 =	sld [smem:$0x3F9D];
	_ =	swait.ge [sflag:s4], $0x0  }
0x19: {  	s7 =	sld [smem:$0x3F9E]  }
0x1a: {  	s8 =	sadd.s32 $0xFFFFE003, lr  }
0x1b: {  	s9 =	sadd.s32 $0xFFFFFEF7, lr;
	s5 =	simm.s32 $0xFFFFFFFF;
	p2 =	slt.u32 s8, $0xFFFFF086  }
0x1c: {  	p1 =	slt.u32 s9, $0xF7A;
	s5 =	simm.s32 @!p2 $0x0  }
0x1d: {  	s5 =	simm.s32 @p1 $0x1;
	p0 =	seq.s32 s7, s2  }
0x1e: {  	s7 =	smul.u32 @!p0 $0xF7A, s2;
	p2 =	seq.s32 @!p0 s5, $0x0  }
0x1f: {  	s9 =	smul.u32 $0xF7A, s1;
	s8 =	simm.s32 @!p0 $0x1BF5;
	p2 =	por !p2, p0  }
0x20: {  	[sflag:s8] =	ssyncset.s32 @!p0 $0xFFFFF086;
	s6 =	sadd.s32 @!p0 s3, s7;
	s7 =	simm.s32 @!p0 $0x108  }
0x21: {  	s3 =	sadd.s32 s3, s9;
	s6 =	sadd.s32 @!p0 $0x88, s6;
	s7 =	simm.s32 @p2 $0x1082  }
0x22: {  	[simem:s7], [sflag:s8] =	dma.local @!p0 [hbm:s6], $0xF7A  }
0x23: {  	s9 =	sor.u32 $0xD0000000, s2;
	s6 =	simm.s32 $0x108;
	_ =	swait.ge @!p0 [sflag:s8], $0x0  }
0x24: {  	s3 =	sadd.s32 $0x88, s3;
	s6 =	simm.s32 @!p1 $0x1082;
	[sflag:s4] =	ssyncset.s32 $0xFFFFF086  }
0x25: {  	[simem:s6], [sflag:s4] =	dma.local [hbm:s3], $0xF7A  }
0x26: {  	[smem:$0x3F9E] =	sst s1;
	(tag) =	ssettag s2;
	_ =	strace s9  }
0x27: {  	s1 =	sld [smem:$0x3FAE]  }
0x28: {  	s2 =	sld [smem:$0x3FAF]  }
0x29: {  	s4 =	sld [smem:$0x3FB1]  }
0x2a: {  	p0 =	seq.s32 s5, $0x0;
	s5 =	sld [smem:$0x3FB2]  }
0x2b: {  	s6 =	sld [smem:$0x3FB3]  }
0x2c: {  	s7 =	sld [smem:$0x3FB4]  }
0x2d: {  	s3 =	simm.s32 $0x108;
	s8 =	sld [smem:$0x3FB5]  }
0x2e: {  	s3 =	simm.s32 @!p0 $0x1082;
	s9 =	sld [smem:$0x3FB6]  }
0x2f: {  	lr =	sadd.s32 s0, s3;
	s0 =	sld [smem:$0x3FAD]  }
0x30: {  	s3 =	sld [smem:$0x3FB0]  }
0x31: {  	[smem:$0x3FB9] =	sst s10  }
0x32: {  	s10 =	sld [smem:$0x3FB7];
	_ =	sdelay $0x3  }
0x33: {  	p0 =	seq.s32 s10, $0x1;
	s10 =	sld [smem:$0x3FB9];
	_ =	sdelay $0x3  }
0x34: {  	[smem:$0x3FB9] =	sst s10  }
0x35: {  	s10 =	sld [smem:$0x3FB8];
	_ =	sdelay $0x3  }
0x36: {  	p1 =	seq.s32 s10, $0x1;
	s10 =	sld [smem:$0x3FB9];
	_ =	sdelay $0x3  }
0x37: {  	[smem:$0x3FB9] =	sst s10  }
0x38: {  	s10 =	sld [smem:$0x3FBA]  }
0x39: {  	_ = 	snop;
	(pc) =	sbr.ind lr, $3  }
0x3a: {  	_ = 	snop  }
0x3b: {  	_ = 	snop  }
0x3c: {  	p2 =	seq.s32 s10, $0x1;
	s10 =	sld [smem:$0x3FB9]  }
0x3d: {  	_ =	shalt  }
0x3e: {  	_ =	shalt  }
0x3f: {  	_ =	shalt  }
0x40: {  	_ =	shalt  }
0x41: {  	_ =	shalt  }
0x42: {  	_ =	shalt  }
0x43: {  	_ =	shalt  }
0x44: {  	_ =	shalt  }
0x45: {  	_ =	shalt  }
0x46: {  	_ =	shalt  }
0x47: {  	_ =	shalt  }
0x48: {  	_ =	shalt  }
0x49: {  	_ =	shalt  }
0x4a: {  	_ =	shalt  }
0x4b: {  	_ =	shalt  }
0x4c: {  	_ =	shalt  }
0x4d: {  	_ =	shalt  }
0x4e: {  	_ =	shalt  }
0x4f: {  	_ =	shalt  }
0x50: {  	_ =	shalt  }
0x51: {  	_ =	shalt  }
0x52: {  	_ =	shalt  }
0x53: {  	_ =	shalt  }
0x54: {  	_ =	shalt  }
0x55: {  	_ =	shalt  }
0x56: {  	_ =	shalt  }
0x57: {  	_ =	shalt  }
0x58: {  	_ =	shalt  }
0x59: {  	_ =	shalt  }
0x5a: {  	_ =	shalt  }
0x5b: {  	_ =	shalt  }
0x5c: {  	_ =	shalt  }
0x5d: {  	_ =	shalt  }
0x5e: {  	_ =	shalt  }
0x5f: {  	_ =	shalt  }
0x60: {  	_ =	shalt  }
0x61: {  	_ =	shalt  }
0x62: {  	_ =	shalt  }
0x63: {  	_ =	shalt  }
0x64: {  	_ =	shalt  }
0x65: {  	_ =	shalt  }
0x66: {  	_ =	shalt  }
0x67: {  	_ =	shalt  }
0x68: {  	_ =	shalt  }
0x69: {  	_ =	shalt  }
0x6a: {  	_ =	shalt  }
0x6b: {  	_ =	shalt  }
0x6c: {  	_ =	shalt  }
0x6d: {  	_ =	shalt  }
0x6e: {  	_ =	shalt  }
0x6f: {  	_ =	shalt  }
0x70: {  	_ =	shalt  }
0x71: {  	_ =	shalt  }
0x72: {  	_ =	shalt  }
0x73: {  	_ =	shalt  }
0x74: {  	_ =	shalt  }
0x75: {  	_ =	shalt  }
0x76: {  	_ =	shalt  }
0x77: {  	_ =	shalt  }
0x78: {  	_ =	shalt  }
0x79: {  	_ =	shalt  }
0x7a: {  	_ =	shalt  }
0x7b: {  	_ =	shalt  }
0x7c: {  	_ =	shalt  }
0x7d: {  	_ =	shalt  }
0x7e: {  	_ =	shalt  }
0x7f: {  	_ =	shalt  }
0x80: {  	_ =	shalt  }
0x81: {  	_ =	shalt  }
0x82: {  	_ =	shalt  }
0x83: {  	_ =	shalt  }
0x84: {  	_ =	shalt  }
0x85: {  	_ =	shalt  }
0x86: {  	_ =	shalt  }
0x87: {  	_ =	shalt  }
.Lfunc_end0:
.L_simem_size_0:
called_computation_lowered:
.L_overlay_start_0:
0x88: {  	s0 =	sld [smem:$0x3FD9]  }
0x89: {  	s1 =	sld [smem:$0x3FFE];
	_ =	sdelay $0x3  }
0x8a: {  	s0 =	sadd.s32 s1, s0  }
0x8b: {  	[smem:$0x3FC5] =	sst s0  }
0x8c: {  	_ = 	snop  }
0x8d: {  	s0 =	sld [smem:$0x3FD0];
	(tm) =	ssettm $0x1  }
0x8e: {  	s16 =	sld [smem:$0x3FFB];
	_ =	sdelay $0x3  }
0x8f: {  	_ =	strace s16  }
0x90: {  	s1 =	sld [smem:$0x3FFC];
	_ =	sdelay $0x3  }
0x91: {  	_ =	strace s1  }
0x92: {  	s1 =	sld [smem:$0x3FFD];
	_ =	sdelay $0x3  }
0x93: {  	_ =	strace s1  }
0x94: {  	_ =	strace $0x8FFFFFFF  }
0x95: {  	s17 =	sld [smem:$0x3FDB];
	_ =	sdelay $0x1  }
0x96: {  	s2 =	simm.s32 $_scs_section_size  }
0x97: {  	s3 =	simm.s32 $_size__tile_overlayer_lowered;
	s4 =	simm.s32 $_tile_overlayer_lowered  }
0x98: {  	s20 =	simm.s32 $0x1BFF;
	s19 =	sshll.u32 s4, $0x1;
	s1 =	sadd.s32 s2, s17  }
0x99: {  	s5 =	simm.s32 $0x0;
	s18 =	sshll.u32 s3, $0x1;
	s3 =	sadd.s32 s19, s1  }
0x9a: {  	[timem:s5], [sflag:s20] =	dma.local [hbm:s3], s18  }
0x9b: {  	_ =	swait.ge [sflag:s20], s18  }
0x9c: {  	s2 =	ssub.s32 $0x0, s18;
	[sflag:s20] =	ssyncset.done $0x0  }
0x9d: {  	[sflag:s20] =	ssyncadd.s32 s2;
	_ =	sdelay $0x1  }
0x9e: {  	s21 =	simm.s32 $0x1B8B  }
0x9f: {  	_ =	swait.ge [sflag:s21], $0x1  }
0xa0: {  	[sflag:s21] =	ssyncset.done $0x0  }
0xa1: {  	s23 =	simm.s32 $0x1B8E;
	s22 =	sld [smem:$0x3FFE];
	[sflag:s21] =	ssyncadd.s32 $0xFFFFFFFF  }
0xa2: {  	s24 =	simm.s32 $execute0_lowered;
	[smem:$0x3FD2] =	sst s23  }
0xa3: {  	s3 =	sshll.u32 s24, $0x1;
	_ =	strace $0x80000046;
	[dreg:$0x1] =	wrdreg $0xFFFFFFFF  }
0xa4: {  	s25 =	simm.s32 $_size_execute0_lowered;
	s1 =	sadd.s32 s1, s3;
	[dreg:$0x0] =	wrdreg $0x0  }
0xa5: {  	s3 =	sshll.u32 s25, $0x1;
	[dreg:$0x2] =	wrdreg s1  }
0xa6: {  	[dreg:$0x3] =	wrdreg s3  }
0xa7: {  	[dreg:$0x4] =	wrdreg $0xC0  }
0xa8: {  	_ =	task [dreg:s5], $0x5FFFF  }
0xa9: {  	[dreg:$0x1] =	wrdreg $0xFFFFFFFF  }
0xaa: {  	[dreg:$0x0] =	wrdreg $0x60  }
0xab: {  	[dreg:$0x2] =	wrdreg s22  }
0xac: {  	[dreg:$0x3] =	wrdreg s0  }
0xad: {  	[dreg:$0x4] =	wrdreg $0x9  }
0xae: {  	_ =	task.clear_ibuf [dreg:s5], $0x5FFFF;
	_ =	strace $0x90000046  }
0xaf: {  	s26 =	simm.s32 $0x9;
	_ =	strace $0x80000048  }
0xb0: {  	_ =	swait.ge [sflag:s26], $0x1  }
0xb1: {  	[sflag:s26] =	ssyncadd.s32 $0xFFFFFFFF  }
0xb2: {  	_ =	strace $0x90000048  }
0xb3: {  	_ =	sfence  }
0xb4: {  	s28 =	sld [smem:$0x0];
	_ =	sdelay $0x1  }
0xb5: {  	s29 =	srdreg.scid  }
0xb6: {  	s30 =	sshll.u32 s29, $0xD;
	s31 =	sshrl.u32 s29, $0x2  }
0xb7: {  	s2 =	sand.u32 $0x4000, s30;
	s1 =	sand.u32 $0x1, s29;
	s0 =	sadd.s32 s31, s28  }
0xb8: {  	s1 =	sor.u32 s2, s1;
	s0 =	sshll.u32 s0, $0x11  }
0xb9: {  	s0 =	sor.u32 s0, s1  }
0xba: {  	s0 =	sadd.s32 $0x8F2B, s0  }
0xbb: {  	[sflag:s0] =	ssyncadd.remote.s32 $0x1  }
0xbc: {  	_ =	sfence.sel $0xFFFF  }
0xbd: {  	[dreg:$0x0] =	wrdreg $0xFFFFFFFF;
	(pc) =	sbr.abs _section_cstart, $3  }
0xbe: {  	[dreg:$0x1] =	wrdreg $0xFFFFFFFF  }
0xbf: {  	_ =	task.clear_ibuf [dreg:s5], $0x2FFFF;
	_ =	strace $0x9FFFFFFF  }
0xc0: {  	(tm) =	ssettm $0x7FFFFFFF  }
0xc1: {  	_ =	shalt  }
tec
execute0_lowered:
.L_overlay_start_1:
0x0: {  	(tag) =	ssettag $0x1  }
0x1: {  	s0 =	stileid.u32  }
0x2: {  	s1 =	smin.u32 s0, $0x9  }
0x3: {  	s1 =	sadd.s32 s0, s1  }
0x4: {  	s2 =	simm.s32 $0x190;
	p0 =	slt.u32 s0, $0x9;
	s1 =	smul.u32 $0xC8, s1  }
0x5: {  	s2 =	simm.s32 @!p0 $0xC8  }
0x6: {  	s2 =	sadd.s32 s2, s1  }
0x7: {  	s3 =	smin.u32 s2, $0x1388  }
0x8: {  	s7 =	ssub.s32 s3, s1  }
0x9: {  	p0 =	sgt.s32 s7, $0x0  }
0xa: {  	s7 =	simm.s32 @!p0 $0x0  }
0xb: {  	s31 =	sand.u32 $0xFFF8, s7  }
0xc: {  	s2 =	sshrl.u32 s31, $0x3  }
0xd: {  	s4 =	rddreg [dreg:$0x0];
	s2 =	smul.u32 $0x147B, s2  }
0xe: {  	s5 =	rddreg [dreg:$0x1]  }
0xf: {  	s6 =	simm.s32 $0x1;
	s10 =	simm.s32 $0x3;
	s8 =	sshrl.u32 s2, $0x11  }
0x10: {  	s13 =	simm.s32 $0x0;
	s12 =	simm.s32 $0x0;
	s9 =	smul.u32 $0xC8, s8  }
.Ltmp0:
0x11: {  	s11 =	smov.u32 s1;
	s2 =	rddreg [dreg:$0x2];
	(pc) =	sbr.rel .LBB2_1-.Ltmp0, $4  }
0x12: {  	_ =	strace $0x80000047;
	p0 =	sne.s32 s7, s9;
	s9 =	simm.s32 $0x1  }
0x13: {  	[sflag:s6] =	ssyncpa.u1 $0x0;
	s7 =	simm.s32 $0x2;
	s9 =	simm.s32 @!p0 $0x0  }
0x14: {  	[sflag:s7] =	ssyncpa.u1 $0x0;
	p0 =	por $0x0, $0x0;
	s8 =	sadd.s32 s8, s9  }
0x15: {  	vm0 =	vmmov $0xff;
	vm1 =	vcmask $0x3F20;
	s9 =	sadd.s32 $0x4E200, s4;
	[sflag:s10] =	ssyncpa.u1 $0x0;
	s10 =	sadd.s32 $0x1, s8  }
.LBB2_6:
0x16: {  	[hbm:s17] =	stream.linear.scatter [tilespmem:s14], [sflag:$0x3], $0x400, $0x38;
	[tilespmem:$0xC990] =	vst v63  }
.LBB2_7:
0x17: {  	s13 =	sadd.s32 $0xC8, s11  }
0x18: {  	s15 =	smov.u32 s1;
	p2 =	slt.s32 s13, s3  }
0x19: {  	s15 =	smov.u32 @p2 s13;
	p2 =	sne.s32 s12, s10  }
.Ltmp1:
0x1a: {  	p1 =	slt.u32 s12, $0x2;
	(pc) =	sbr.rel @!p2 .LBB2_8-.Ltmp1, $4  }
0x1b: {  	s14 =	simm.s32 @!p1 $0x3  }
0x1c: {  	s16 =	sadd.s32 $0x1, s12;
	_ =	swait.ge @!p1 [sflag:s14], $0x6400  }
0x1d: {  	p0 =	por !p0, !p0;
	s13 =	smov.u32 s11;
	[sflag:s14] =	ssyncset.done @!p1 $0x0  }
0x1e: {  	s12 =	smov.u32 s16;
	s11 =	smov.u32 s15;
	[sflag:s14] =	ssyncadd.s32 @!p1 $0xFFFF9C00  }
.LBB2_1:
0x1f: {  	p1 =	sge.u32 s12, s8  }
0x20: {  	s14 =	sxor.u32 @!p1 $0xFFFFFFFF, s12  }
0x21: {  	s14 =	sand.u32 @!p1 $0x1, s14  }
0x22: {  	s14 =	smul.u32 @!p1 $0x320, s14  }
0x23: {  	s31 =	sadd.s32 $0xFFFFFFFF, s12;
	s15 =	sshrl.u32 @!p1 s11, $0x3  }
0x24: {  	s16 =	sand.u32 @!p1 $0x7, s11;
	s15 =	sadd.s32 @!p1 s5, s15;
	s14 =	sshrl.u32 @!p1 s14, $0x2  }
0x25: {  	[tilespmem:s14], [sflag:$0x2] =	stream.linear.gather @!p1 [hbm4b:s15+s16], $0xC8, $0x38;
	[tilespmem:$0xC990] =	vst v63  }
0x26: {  	p1 =	sge.u32 s31, s8  }
.Ltmp2:
0x27: {  	_ = 	snop;
	(pc) =	sbr.rel @p1 .LBB2_7-.Ltmp2, $1  }
0x28: {  	_ =	sdelay $0x3  }
0x29: {  	s14 =	simm.s32 $0x1  }
0x2a: {  	s14 =	simm.s32 @!p0 $0x0  }
0x2b: {  	s15 =	smul.u32 $0x320, s14  }
0x2c: {  	_ =	swait.ge [sflag:s7], $0xC8  }
0x2d: {  	[sflag:s7] =	ssyncset.done $0x0;
	s16 =	sshrl.u32 s15, $0x2  }
0x2e: {  	[sflag:s7] =	ssyncadd.s32 $0xFFFFFF38;
	s15 =	sadd.s32 $0x0, s16  }
0x2f: {  	v0 =	vld.msk [tilespmem:s15+$0x0 ss:$0x1], $0xffff;
	_ =	sdelay $0x4  }
0x30: {  	vm2 =	vgt.s32 v0, $0x0  }
0x31: {  	v0 =	vnsel vm2, $0x0, v0  }
0x32: {  	v0 =	vmin.u32 v0, $0x4E1F  }
0x33: {  	v0 =	vshll.u32 v0, $0x4  }
0x34: {  	s14 =	smul.u32 $0x19000, s14  }
0x35: {  	s31 =	sand.u32 $0x1, s12  }
0x36: {  	s17 =	smul.u32 $0x320, s31;
	s14 =	sshrl.u32 s14, $0x2  }
0x37: {  	s19 =	smul.u32 $0x19000, s31;
	s14 =	sor.u32 $0x190, s14  }
0x38: {  	[tilespmem:s14], [sflag:$0x1] =	stream.indirect_vreg.gather [hbm:s4], $0x80, v0, vm0, $0x38;
	[tilespmem:$0xC990] =	vst v63  }
0x39: {  	s18 =	sshrl.u32 s17, $0x2;
	s20 =	sadd.s32 $0x10, s16;
	s15 =	sadd.s32 $0x400, s14  }
0x3a: {  	[tilespmem:s15], [sflag:$0x1] =	stream.indirect_vreg.gather [hbm:s4], $0x80, v0, vm1, $0x38;
	[tilespmem:$0xC990] =	vst v63  }
0x3b: {  	s17 =	sshrl.u32 s19, $0x2;
	s19 =	smov.u32 s14;
	v0 =	vld.msk [tilespmem:s20+$0x0 ss:$0x1], $0xffff;
	s20 =	simm.s32 $0x80  }
.LBB2_3:
0x3c: {  	p1 =	sne.s32 s20, $0x2C0;
	_ =	sdelay $0x4  }
0x3d: {  	vm2 =	vgt.s32 v0, $0x0  }
0x3e: {  	v0 =	vnsel vm2, $0x0, v0  }
0x3f: {  	v0 =	vmin.u32 v0, $0x4E1F  }
0x40: {  	v0 =	vshll.u32 v0, $0x4;
	_ =	sdelay $0x3  }
.Ltmp3:
0x41: {  	s21 =	sshra.s32 s20, $0x2;
	s19 =	sadd.s32 $0x800, s19;
	(pc) =	sbr.rel @p1 .LBB2_3-.Ltmp3, $4  }
0x42: {  	[tilespmem:s19], [sflag:$0x1] =	stream.indirect_vreg.gather [hbm:s4], $0x80, v0, vm0, $0x38;
	[tilespmem:$0xC990] =	vst v63  }
0x43: {  	s21 =	sadd.s32 s21, s16;
	s22 =	sadd.s32 $0x400, s19  }
0x44: {  	[tilespmem:s22], [sflag:$0x1] =	stream.indirect_vreg.gather [hbm:s4], $0x80, v0, vm1, $0x38;
	[tilespmem:$0xC990] =	vst v63  }
0x45: {  	s20 =	sadd.s32 $0x40, s20;
	v0 =	vld.msk [tilespmem:s21+$0x0 ss:$0x1], $0xffff  }
0x46: {  	_ =	sdelay $0x3  }
0x47: {  	vm2 =	vgt.s32 v0, $0x0  }
0x48: {  	v0 =	vnsel vm2, $0x0, v0  }
0x49: {  	v0 =	vmin.u32 v0, $0x4E1F  }
0x4a: {  	v0 =	vshll.u32 v0, $0x4;
	_ =	sdelay $0x3  }
0x4b: {  	s16 =	sadd.s32 $0x800, s19  }
0x4c: {  	[tilespmem:s16], [sflag:$0x1] =	stream.indirect_vreg.gather [hbm:s4], $0x80, v0, vm0, $0x38;
	[tilespmem:$0xC990] =	vst v63  }
0x4d: {  	s16 =	sadd.s32 $0x400, s16  }
0x4e: {  	[tilespmem:s16], [sflag:$0x1] =	stream.indirect_vreg.gather [hbm:s4], $0x80, v0, vm1, $0x38;
	[tilespmem:$0xC990] =	vst v63  }
0x4f: {  	v0 =	vld.msk [tilespmem:s18+$0xC0 ss:$0x1], $0xff;
	_ =	sdelay $0x4  }
0x50: {  	vm2 =	vgt.s32 v0, $0x0  }
0x51: {  	v0 =	vnsel vm2, $0x0, v0  }
0x52: {  	v0 =	vmin.u32 v0, $0x4E1F  }
0x53: {  	v0 =	vshll.u32 v0, $0x4;
	_ =	sdelay $0x3  }
0x54: {  	s31 =	sadd.s32 $0x6190, s17  }
0x55: {  	[tilespmem:s31], [sflag:$0x1] =	stream.indirect_vreg.gather [hbm:s4], $0x80, v0, vm0, $0x38;
	[tilespmem:$0xC990] =	vst v63  }
0x56: {  	s13 =	sshll.u32 s13, $0x4;
	_ =	swait.ge [sflag:s6], $0x6400  }
0x57: {  	s13 =	sadd.s32 s13, s9;
	[sflag:s6] =	ssyncset.done $0x0  }
0x58: {  	s17 =	sadd.s32 $0x0, s13;
	s16 =	simm.s32 $0x80;
	[sflag:s6] =	ssyncadd.s32 $0xFFFF9C00  }
.LBB2_5:
0x59: {  	[hbm:s17] =	stream.linear.scatter [tilespmem:s14], [sflag:$0x3], $0x400, $0x38;
	[tilespmem:$0xC990] =	vst v63  }
0x5a: {  	s17 =	smov.u32 s16;
	s14 =	smov.u32 s15;
	p1 =	sne.s32 s16, $0xC00  }
.Ltmp4:
0x5b: {  	s16 =	sadd.s32 $0x80, s16;
	(pc) =	sbr.rel @p1 .LBB2_5-.Ltmp4, $2  }
0x5c: {  	_ =	sdelay $0x2  }
0x5d: {  	s15 =	sadd.s32 $0x400, s15;
	s17 =	sadd.s32 s17, s13  }
.Ltmp5:
0x5e: {  	_ = 	snop;
	(pc) =	sbr.rel .LBB2_6-.Ltmp5, $1  }
0x5f: {  	_ =	sdelay $0x3  }
.LBB2_8:
0x60: {  	_ =	sfence.sel $0x180000  }
0x61: {  	s1 =	simm.s32 $0x2;
	[bflag:$0x0] =	sbarrier.arrive $0xFFFF  }
0x62: {  	s30 =	simm.s32 $0x3;
	[sflag:s1] =	ssyncpa.u1 $0x1  }
0x63: {  	s31 =	simm.s32 $0x1;
	[sflag:s30] =	ssyncpa.u1 $0x1  }
0x64: {  	[sflag:s31] =	ssyncpa.u1 $0x1  }
0x65: {  	p0 =	sne.s32 s0, $0x0;
	_ =	strace $0x90000047  }
0x66: {  	s0 =	sadd.s32 @!p0 $0x100000, s2;
	[bflag:$0x2] =	sbarrier.arrive $0xFFFF  }
0x67: {  	[sflag:s0] =	ssyncadd.tile.s32 @!p0 $0x1;
	_ =	shalt  }
.Lfunc_end2:
_tile_overlayer_lowered:
.L_overlay_start_2:
0x68: {  	(tag) =	ssettag $0x2  }
0x69: {  	s0 =	rddreg [dreg:$0x0];
	s2 =	stileid.u32  }
0x6a: {  	s1 =	rddreg [dreg:$0x1];
	p0 =	sne.s32 s2, $0x0  }
0x6b: {  	s3 =	rddreg [dreg:$0x2];
	[bflag:$0x3] =	sbarrier.arrive $0xFFFF;
	s2 =	simm.s32 @!p0 $0x1C01  }
0x6c: {  	[timem:s3], [sflag:s2] =	dma.local @!p0 [hbm:s0], s1  }
0x6d: {  	s0 =	simm.s32 @!p0 $0x1  }
0x6e: {  	_ =	swait.ge @!p0 [sflag:s0], s1  }
0x6f: {  	s1 =	ssub.s32 @!p0 $0x0, s1;
	[sflag:s0] =	ssyncset.done @!p0 $0x0  }
0x70: {  	[sflag:s0] =	ssyncadd.s32 @!p0 s1  }
0x71: {  	[bflag:$0x3] =	sbarrier.arrive $0xFFFF  }
0x72: {  	_ =	shalt  }

</sc_bundles>
